<compile_context>
chip_gen: v7x
topology: tpu7x:2x2x1
jax: 0.10.2.dev20260603
libtpu: 0.0.44.dev20260713+nightly
codegen_flags: <defaults>
</compile_context>

<pallas_src>
import functools

import jax
import jax.numpy as jnp
from jax import lax
from jax.experimental import pallas as pl
from jax.experimental.pallas import tpu as pltpu
from jax.experimental.pallas import tpu_sc as plsc

VOCAB = 100000
EMBED = 64
B = 1024
CTX = 10

NC = 2
NS = 16
NW = NC * NS
EX_PER_W = B // NW
IDX_PER_W = EX_PER_W * CTX

VB = 2048
NV = (VOCAB + VB - 1) // VB
VPAD = NV * VB
KA = EMBED + 1
NEG_BIG = -1e30


def _sc_body(idx_hbm, table_hbm, out_hbm, idx_v, rows_v, out_v, sem):
    wid = lax.axis_index("s") * NC + lax.axis_index("c")
    base = wid * IDX_PER_W
    pltpu.sync_copy(idx_hbm.at[pl.ds(base, IDX_PER_W)], idx_v)
    pltpu.async_copy(table_hbm.at[idx_v], rows_v, sem).wait()

    def pool_one(e, _):
        r0 = e * CTX
        for c in range(EMBED // 16):
            sl = pl.ds(c * 16, 16)
            acc = rows_v[r0, sl]
            for j in range(1, CTX):
                acc = acc + rows_v[r0 + j, sl]
            out_v[e, sl] = acc * (1.0 / CTX)
        return 0

    lax.fori_loop(0, EX_PER_W, pool_one, 0)
    pltpu.sync_copy(out_v, out_hbm.at[pl.ds(wid * EX_PER_W, EX_PER_W)])


@functools.cache
def _make_gather_mean():
    return pl.kernel(
        _sc_body,
        out_type=jax.ShapeDtypeStruct((B, EMBED), jnp.float32),
        mesh=plsc.VectorSubcoreMesh(core_axis_name="c", subcore_axis_name="s"),
        compiler_params=pltpu.CompilerParams(use_tc_tiling_on_sc=False),
        scratch_types=[
            pltpu.VMEM((IDX_PER_W,), jnp.int32),
            pltpu.VMEM((IDX_PER_W, EMBED), jnp.float32),
            pltpu.VMEM((EX_PER_W, EMBED), jnp.float32),
            pltpu.SemaphoreType.DMA,
        ],
    )


def _fill_avg_aug(avg_ref, avgt_scr):
    avgt_scr[pl.ds(0, EMBED), :] = jnp.transpose(avg_ref[...])
    avgt_scr[pl.ds(EMBED, 1), :] = jnp.ones((1, B), jnp.float32)


def _logits_t(w_ref, avgt_scr):
    return lax.dot_general(
        w_ref[...], avgt_scr[...], (((0,), (0,)), ((), ())),
        preferred_element_type=jnp.float32,
    )


G = 4
L = B // G


def _fused_body(avg_ref, w_ref, out_ref, avgt_scr, s_scr):
    p = pl.program_id(0)
    j = pl.program_id(1)

    @pl.when(p < G)
    def _stats_substep():
        for k in range(G):
            @pl.when(p == k)
            def _one(k=k):
                lanes = slice(k * L, (k + 1) * L)

                @pl.when(j == 0)
                def _fill():
                    avgt_scr[pl.ds(0, EMBED), lanes] = jnp.transpose(avg_ref[...])
                    avgt_scr[pl.ds(EMBED, 1), lanes] = jnp.ones((1, L), jnp.float32)

                lt = lax.dot_general(
                    w_ref[...], avgt_scr[:, lanes], (((0,), (0,)), ((), ())),
                    preferred_element_type=jnp.float32,
                )
                part = jnp.sum(jnp.exp(lt), axis=0, keepdims=True)

                @pl.when(j == 0)
                def _init():
                    s_scr[:, lanes] = part

                @pl.when(j > 0)
                def _acc():
                    s_scr[:, lanes] += part

    @pl.when(p > 0)
    def _write_substep():
        for k in range(G):
            @pl.when(p == k + 1)
            def _one(k=k):
                lanes = slice(k * L, (k + 1) * L)
                lt = lax.dot_general(
                    w_ref[...], avgt_scr[:, lanes], (((0,), (0,)), ((), ())),
                    preferred_element_type=jnp.float32,
                )
                out_ref[...] = jnp.exp(lt) * (1.0 / s_scr[:, lanes])


def _fused_softmax(avg3, w_aug):
    return pl.pallas_call(
        _fused_body,
        grid=(G + 1, NV),
        in_specs=[
            pl.BlockSpec((L, EMBED), lambda p, j: (jnp.minimum(p, G - 1), 0)),
            pl.BlockSpec((KA, VB), lambda p, j: (0, j)),
        ],
        out_specs=pl.BlockSpec(
            (VB, L),
            lambda p, j: (jnp.where(p > 0, j, 0), jnp.maximum(p - 1, 0)),
        ),
        out_shape=jax.ShapeDtypeStruct((VOCAB, B), jnp.float32),
        scratch_shapes=[
            pltpu.VMEM((KA, B), jnp.float32),
            pltpu.VMEM((1, B), jnp.float32),
        ],
    )(avg3, w_aug)


def kernel(context, emb_table, W, b):
    idx = context.reshape(-1).astype(jnp.int32)
    w_top = jnp.pad(W, ((0, 0), (0, VPAD - VOCAB)))
    b_row = jnp.pad(b[None, :], ((0, 0), (0, VPAD - VOCAB)),
                    constant_values=NEG_BIG)
    w_aug = jnp.concatenate([w_top, b_row], axis=0)
    avg = _make_gather_mean()(idx, emb_table)
    out_t = _fused_softmax(avg, w_aug)
    return out_t.T

# --- scband reference (transcript-rebuilt; emitter-appended) ---
"""Pipeline reference for scband-cbow-31971736551651 (READ-ONLY COPY).

The authoritative reference and input builder live on the scoring server;
editing this copy changes nothing except your own understanding.
"""

import jax, jax.numpy as jnp
import numpy as np

VOCAB = 100000
EMBED = 64
B = 1024
CTX = 10

def setup_inputs(seed: int = 0) -> dict:
    key = jax.random.key(seed)
    k1, k2, k3, k4 = jax.random.split(key, 4)
    context = jax.random.randint(k1, (B, CTX), 0, VOCAB, dtype=jnp.int64 if jax.config.read('jax_enable_x64') else jnp.int32)
    emb_table = jax.random.normal(k2, (VOCAB, EMBED), dtype=jnp.float32) * 0.02
    W = jax.random.normal(k3, (EMBED, VOCAB), dtype=jnp.float32) * 0.02
    b = jnp.zeros((VOCAB,), dtype=jnp.float32)
    return {"context": context, "emb_table": emb_table, "W": W, "b": b}

def reference(context, emb_table, W, b):
    # Embedding lookup: [B, CTX, EMBED]
    context_emb = jnp.take(emb_table, context, axis=0)
    # Mean over context window: [B, EMBED]
    avg_emb = jnp.mean(context_emb, axis=1)
    # Dense projection to vocab with softmax: [B, VOCAB]
    logits = avg_emb @ W + b
    return jax.nn.softmax(logits, axis=-1)

if __name__ == "__main__":
    import jax
    _d = setup_inputs()
    print(jax.jit(kernel)(*tuple(_d.values())))

</pallas_src>

<mosaic_0001>
#map = affine_map<(d0, d1) -> (0)>
#map1 = affine_map<(d0, d1) -> (0, 0)>
module attributes {stable_mosaic.version = 14 : i64} {
  func.func @_sc_body(%arg0: i32, %arg1: i32, %arg2: memref<10240xi32, #tpu.memory_space<hbm>>, %arg3: memref<100000x64xf32, #tpu.memory_space<hbm>>, %arg4: memref<1024x64xf32, #tpu.memory_space<hbm>>, %arg5: memref<320xi32, #tpu.memory_space<vmem>>, %arg6: memref<320x64xf32, #tpu.memory_space<vmem>>, %arg7: memref<32x64xf32, #tpu.memory_space<vmem>>, %arg8: memref<!tpu.dma_semaphore, #tpu.memory_space<semaphore_mem>>) attributes {dimension_semantics = [#tpu.dimension_semantics<core_parallel>, #tpu.dimension_semantics<subcore_parallel>], iteration_bounds = array<i64: 2, 16>, scalar_prefetch = 0 : i64, scratch_operands = 4 : i64, tpu.core_type = #tpu.core_type<sc_vector_subcore>, window_params = [{transform_indices = #map}, {transform_indices = #map1}, {transform_indices = #map1}]} {
    %mul3A = arith.constant 2 : i32
    %mul3A_0 = arith.muli %arg1, %mul3A : i32
    %add3A = arith.addi %mul3A_0, %arg0 : i32
    %mul3A_1 = arith.constant 320 : i32
    %mul3A_2 = arith.muli %add3A, %mul3A_1 : i32
    "tpu.region"() ({
      %run_scoped3A = tpu.sem_alloc : memref<!tpu.dma_semaphore, #tpu.memory_space<semaphore_mem>>
      %dma_start3A_15 = tpu.memref_slice %arg2[%mul3A_2] : memref<10240xi32, #tpu.memory_space<hbm>> -> memref<320xi32, #tpu.memory_space<hbm>>
      %dma_start3A_16 = tpu.memref_slice %arg2[%mul3A_2] : memref<10240xi32, #tpu.memory_space<hbm>> -> memref<320xi32, #tpu.memory_space<hbm>>
      tpu.enqueue_dma source(%dma_start3A_16 : memref<320xi32, #tpu.memory_space<hbm>>) target(%arg5 : memref<320xi32, #tpu.memory_space<vmem>>) target_semaphore(%run_scoped3A : memref<!tpu.dma_semaphore, #tpu.memory_space<semaphore_mem>>)
      %dma_wait3A_17 = tpu.memref_slice %arg2[%mul3A_2] : memref<10240xi32, #tpu.memory_space<hbm>> -> memref<320xi32, #tpu.memory_space<hbm>>
      %dma_wait3A_18 = tpu.memref_slice %arg2[%mul3A_2] : memref<10240xi32, #tpu.memory_space<hbm>> -> memref<320xi32, #tpu.memory_space<hbm>>
      tpu.wait_dma2 semaphore(%run_scoped3A : memref<!tpu.dma_semaphore, #tpu.memory_space<semaphore_mem>>) src(%dma_wait3A_18 : memref<320xi32, #tpu.memory_space<hbm>>) dst(%arg5 : memref<320xi32, #tpu.memory_space<vmem>>)
      tpu.yield
    }) : () -> ()
    %dma_start3A = arith.constant 0 : i32
    %dma_start3A_3 = arith.constant 0 : i32
    %dma_start3A_4 = tpu.memref_slice %arg3[%dma_start3A, %dma_start3A_3] : memref<100000x64xf32, #tpu.memory_space<hbm>> -> memref<100000x64xf32, #tpu.memory_space<hbm>>
    tpu.enqueue_indirect_dma source(%dma_start3A_4 : memref<100000x64xf32, #tpu.memory_space<hbm>>) target(%arg6 : memref<320x64xf32, #tpu.memory_space<vmem>>) offsets(%arg5 : memref<320xi32, #tpu.memory_space<vmem>>) semaphore(%arg8 : memref<!tpu.dma_semaphore, #tpu.memory_space<semaphore_mem>>)
    %dma_wait3A = arith.constant 0 : i32
    %dma_wait3A_5 = arith.constant 0 : i32
    %dma_wait3A_6 = tpu.memref_slice %arg3[%dma_wait3A, %dma_wait3A_5] : memref<100000x64xf32, #tpu.memory_space<hbm>> -> memref<100000x64xf32, #tpu.memory_space<hbm>>
    tpu.wait_indirect_dma semaphore(%arg8 : memref<!tpu.dma_semaphore, #tpu.memory_space<semaphore_mem>>) src(%dma_wait3A_6 : memref<100000x64xf32, #tpu.memory_space<hbm>>) dst(%arg6 : memref<320x64xf32, #tpu.memory_space<vmem>>)
    %scan3A = arith.constant 0 : i32
    %scan3A_7 = arith.constant 0 : i32
    %scan3A_8 = arith.constant 32 : i32
    %scan3A_9 = arith.addi %scan3A_7, %scan3A_8 : i32
    %scan3A_10 = arith.constant 1 : i32
    %scan3A_11 = scf.for %scan3A_15 = %scan3A_7 to %scan3A_9 step %scan3A_10 iter_args(%scan3A_16 = %scan3A) -> (i32)  : i32 {
      %mul3A_17 = arith.constant 10 : i32
      %mul3A_18 = arith.muli %scan3A_15, %mul3A_17 : i32
      %get3A = arith.index_cast %mul3A_18 : i32 to index
      %get3A_19 = arith.constant 0 : index
      %get3A_20 = tpu.vector_load %arg6[%get3A, %get3A_19] {strides = array<i32>} : memref<320x64xf32, #tpu.memory_space<vmem>>, vector<1x16xf32>,
      %get3A_21 = vector.shape_cast %get3A_20 : vector<1x16xf32> to vector<16xf32>
      %add3A_22 = arith.constant 1 : i32
      %add3A_23 = arith.addi %mul3A_18, %add3A_22 : i32
      %get3A_24 = arith.index_cast %add3A_23 : i32 to index
      %get3A_25 = arith.constant 0 : index
      %get3A_26 = tpu.vector_load %arg6[%get3A_24, %get3A_25] {strides = array<i32>} : memref<320x64xf32, #tpu.memory_space<vmem>>, vector<1x16xf32>,
      %get3A_27 = vector.shape_cast %get3A_26 : vector<1x16xf32> to vector<16xf32>
      %add3A_28 = arith.addf %get3A_21, %get3A_27 : vector<16xf32>
      %add3A_29 = arith.constant 2 : i32
      %add3A_30 = arith.addi %mul3A_18, %add3A_29 : i32
      %get3A_31 = arith.index_cast %add3A_30 : i32 to index
      %get3A_32 = arith.constant 0 : index
      %get3A_33 = tpu.vector_load %arg6[%get3A_31, %get3A_32] {strides = array<i32>} : memref<320x64xf32, #tpu.memory_space<vmem>>, vector<1x16xf32>,
      %get3A_34 = vector.shape_cast %get3A_33 : vector<1x16xf32> to vector<16xf32>
      %add3A_35 = arith.addf %add3A_28, %get3A_34 : vector<16xf32>
      %add3A_36 = arith.constant 3 : i32
      %add3A_37 = arith.addi %mul3A_18, %add3A_36 : i32
      %get3A_38 = arith.index_cast %add3A_37 : i32 to index
      %get3A_39 = arith.constant 0 : index
      %get3A_40 = tpu.vector_load %arg6[%get3A_38, %get3A_39] {strides = array<i32>} : memref<320x64xf32, #tpu.memory_space<vmem>>, vector<1x16xf32>,
      %get3A_41 = vector.shape_cast %get3A_40 : vector<1x16xf32> to vector<16xf32>
      %add3A_42 = arith.addf %add3A_35, %get3A_41 : vector<16xf32>
      %add3A_43 = arith.constant 4 : i32
      %add3A_44 = arith.addi %mul3A_18, %add3A_43 : i32
      %get3A_45 = arith.index_cast %add3A_44 : i32 to index
      %get3A_46 = arith.constant 0 : index
      %get3A_47 = tpu.vector_load %arg6[%get3A_45, %get3A_46] {strides = array<i32>} : memref<320x64xf32, #tpu.memory_space<vmem>>, vector<1x16xf32>,
      %get3A_48 = vector.shape_cast %get3A_47 : vector<1x16xf32> to vector<16xf32>
      %add3A_49 = arith.addf %add3A_42, %get3A_48 : vector<16xf32>
      %add3A_50 = arith.constant 5 : i32
      %add3A_51 = arith.addi %mul3A_18, %add3A_50 : i32
      %get3A_52 = arith.index_cast %add3A_51 : i32 to index
      %get3A_53 = arith.constant 0 : index
      %get3A_54 = tpu.vector_load %arg6[%get3A_52, %get3A_53] {strides = array<i32>} : memref<320x64xf32, #tpu.memory_space<vmem>>, vector<1x16xf32>,
      %get3A_55 = vector.shape_cast %get3A_54 : vector<1x16xf32> to vector<16xf32>
      %add3A_56 = arith.addf %add3A_49, %get3A_55 : vector<16xf32>
      %add3A_57 = arith.constant 6 : i32
      %add3A_58 = arith.addi %mul3A_18, %add3A_57 : i32
      %get3A_59 = arith.index_cast %add3A_58 : i32 to index
      %get3A_60 = arith.constant 0 : index
      %get3A_61 = tpu.vector_load %arg6[%get3A_59, %get3A_60] {strides = array<i32>} : memref<320x64xf32, #tpu.memory_space<vmem>>, vector<1x16xf32>,
      %get3A_62 = vector.shape_cast %get3A_61 : vector<1x16xf32> to vector<16xf32>
      %add3A_63 = arith.addf %add3A_56, %get3A_62 : vector<16xf32>
      %add3A_64 = arith.constant 7 : i32
      %add3A_65 = arith.addi %mul3A_18, %add3A_64 : i32
      %get3A_66 = arith.index_cast %add3A_65 : i32 to index
      %get3A_67 = arith.constant 0 : index
      %get3A_68 = tpu.vector_load %arg6[%get3A_66, %get3A_67] {strides = array<i32>} : memref<320x64xf32, #tpu.memory_space<vmem>>, vector<1x16xf32>,
      %get3A_69 = vector.shape_cast %get3A_68 : vector<1x16xf32> to vector<16xf32>
      %add3A_70 = arith.addf %add3A_63, %get3A_69 : vector<16xf32>
      %add3A_71 = arith.constant 8 : i32
      %add3A_72 = arith.addi %mul3A_18, %add3A_71 : i32
      %get3A_73 = arith.index_cast %add3A_72 : i32 to index
      %get3A_74 = arith.constant 0 : index
      %get3A_75 = tpu.vector_load %arg6[%get3A_73, %get3A_74] {strides = array<i32>} : memref<320x64xf32, #tpu.memory_space<vmem>>, vector<1x16xf32>,
      %get3A_76 = vector.shape_cast %get3A_75 : vector<1x16xf32> to vector<16xf32>
      %add3A_77 = arith.addf %add3A_70, %get3A_76 : vector<16xf32>
      %add3A_78 = arith.constant 9 : i32
      %add3A_79 = arith.addi %mul3A_18, %add3A_78 : i32
      %get3A_80 = arith.index_cast %add3A_79 : i32 to index
      %get3A_81 = arith.constant 0 : index
      %get3A_82 = tpu.vector_load %arg6[%get3A_80, %get3A_81] {strides = array<i32>} : memref<320x64xf32, #tpu.memory_space<vmem>>, vector<1x16xf32>,
      %get3A_83 = vector.shape_cast %get3A_82 : vector<1x16xf32> to vector<16xf32>
      %add3A_84 = arith.addf %add3A_77, %get3A_83 : vector<16xf32>
      %mul3A_85 = arith.constant 1.000000e-01 : f32
      %mul3A_86 = vector.broadcast %mul3A_85 : f32 to vector<16xf32>
      %mul3A_87 = arith.mulf %add3A_84, %mul3A_86 : vector<16xf32>
      %swap3A = arith.index_cast %scan3A_15 : i32 to index
      %swap3A_88 = arith.constant 0 : index
      %swap3A_89 = tpu.vector_load %arg7[%swap3A, %swap3A_88] {strides = array<i32>} : memref<32x64xf32, #tpu.memory_space<vmem>>, vector<1x16xf32>,
      %swap3A_90 = vector.shape_cast %swap3A_89 : vector<1x16xf32> to vector<16xf32>
      %swap3A_91 = vector.shape_cast %mul3A_87 : vector<16xf32> to vector<1x16xf32>
      tpu.vector_store %arg7[%swap3A, %swap3A_88], %swap3A_91 {strides = array<i32>} : memref<32x64xf32, #tpu.memory_space<vmem>>, vector<1x16xf32>,
      %get3A_92 = arith.index_cast %mul3A_18 : i32 to index
      %get3A_93 = arith.constant 16 : index
      %get3A_94 = tpu.vector_load %arg6[%get3A_92, %get3A_93] {strides = array<i32>} : memref<320x64xf32, #tpu.memory_space<vmem>>, vector<1x16xf32>,
      %get3A_95 = vector.shape_cast %get3A_94 : vector<1x16xf32> to vector<16xf32>
      %add3A_96 = arith.constant 1 : i32
      %add3A_97 = arith.addi %mul3A_18, %add3A_96 : i32
      %get3A_98 = arith.index_cast %add3A_97 : i32 to index
      %get3A_99 = arith.constant 16 : index
      %get3A_100 = tpu.vector_load %arg6[%get3A_98, %get3A_99] {strides = array<i32>} : memref<320x64xf32, #tpu.memory_space<vmem>>, vector<1x16xf32>,
      %get3A_101 = vector.shape_cast %get3A_100 : vector<1x16xf32> to vector<16xf32>
      %add3A_102 = arith.addf %get3A_95, %get3A_101 : vector<16xf32>
      %add3A_103 = arith.constant 2 : i32
      %add3A_104 = arith.addi %mul3A_18, %add3A_103 : i32
      %get3A_105 = arith.index_cast %add3A_104 : i32 to index
      %get3A_106 = arith.constant 16 : index
      %get3A_107 = tpu.vector_load %arg6[%get3A_105, %get3A_106] {strides = array<i32>} : memref<320x64xf32, #tpu.memory_space<vmem>>, vector<1x16xf32>,
      %get3A_108 = vector.shape_cast %get3A_107 : vector<1x16xf32> to vector<16xf32>
      %add3A_109 = arith.addf %add3A_102, %get3A_108 : vector<16xf32>
      %add3A_110 = arith.constant 3 : i32
      %add3A_111 = arith.addi %mul3A_18, %add3A_110 : i32
      %get3A_112 = arith.index_cast %add3A_111 : i32 to index
      %get3A_113 = arith.constant 16 : index
      %get3A_114 = tpu.vector_load %arg6[%get3A_112, %get3A_113] {strides = array<i32>} : memref<320x64xf32, #tpu.memory_space<vmem>>, vector<1x16xf32>,
      %get3A_115 = vector.shape_cast %get3A_114 : vector<1x16xf32> to vector<16xf32>
      %add3A_116 = arith.addf %add3A_109, %get3A_115 : vector<16xf32>
      %add3A_117 = arith.constant 4 : i32
      %add3A_118 = arith.addi %mul3A_18, %add3A_117 : i32
      %get3A_119 = arith.index_cast %add3A_118 : i32 to index
      %get3A_120 = arith.constant 16 : index
      %get3A_121 = tpu.vector_load %arg6[%get3A_119, %get3A_120] {strides = array<i32>} : memref<320x64xf32, #tpu.memory_space<vmem>>, vector<1x16xf32>,
      %get3A_122 = vector.shape_cast %get3A_121 : vector<1x16xf32> to vector<16xf32>
      %add3A_123 = arith.addf %add3A_116, %get3A_122 : vector<16xf32>
      %add3A_124 = arith.constant 5 : i32
      %add3A_125 = arith.addi %mul3A_18, %add3A_124 : i32
      %get3A_126 = arith.index_cast %add3A_125 : i32 to index
      %get3A_127 = arith.constant 16 : index
      %get3A_128 = tpu.vector_load %arg6[%get3A_126, %get3A_127] {strides = array<i32>} : memref<320x64xf32, #tpu.memory_space<vmem>>, vector<1x16xf32>,
      %get3A_129 = vector.shape_cast %get3A_128 : vector<1x16xf32> to vector<16xf32>
      %add3A_130 = arith.addf %add3A_123, %get3A_129 : vector<16xf32>
      %add3A_131 = arith.constant 6 : i32
      %add3A_132 = arith.addi %mul3A_18, %add3A_131 : i32
      %get3A_133 = arith.index_cast %add3A_132 : i32 to index
      %get3A_134 = arith.constant 16 : index
      %get3A_135 = tpu.vector_load %arg6[%get3A_133, %get3A_134] {strides = array<i32>} : memref<320x64xf32, #tpu.memory_space<vmem>>, vector<1x16xf32>,
      %get3A_136 = vector.shape_cast %get3A_135 : vector<1x16xf32> to vector<16xf32>
      %add3A_137 = arith.addf %add3A_130, %get3A_136 : vector<16xf32>
      %add3A_138 = arith.constant 7 : i32
      %add3A_139 = arith.addi %mul3A_18, %add3A_138 : i32
      %get3A_140 = arith.index_cast %add3A_139 : i32 to index
      %get3A_141 = arith.constant 16 : index
      %get3A_142 = tpu.vector_load %arg6[%get3A_140, %get3A_141] {strides = array<i32>} : memref<320x64xf32, #tpu.memory_space<vmem>>, vector<1x16xf32>,
      %get3A_143 = vector.shape_cast %get3A_142 : vector<1x16xf32> to vector<16xf32>
      %add3A_144 = arith.addf %add3A_137, %get3A_143 : vector<16xf32>
      %add3A_145 = arith.constant 8 : i32
      %add3A_146 = arith.addi %mul3A_18, %add3A_145 : i32
      %get3A_147 = arith.index_cast %add3A_146 : i32 to index
      %get3A_148 = arith.constant 16 : index
      %get3A_149 = tpu.vector_load %arg6[%get3A_147, %get3A_148] {strides = array<i32>} : memref<320x64xf32, #tpu.memory_space<vmem>>, vector<1x16xf32>,
      %get3A_150 = vector.shape_cast %get3A_149 : vector<1x16xf32> to vector<16xf32>
      %add3A_151 = arith.addf %add3A_144, %get3A_150 : vector<16xf32>
      %add3A_152 = arith.constant 9 : i32
      %add3A_153 = arith.addi %mul3A_18, %add3A_152 : i32
      %get3A_154 = arith.index_cast %add3A_153 : i32 to index
      %get3A_155 = arith.constant 16 : index
      %get3A_156 = tpu.vector_load %arg6[%get3A_154, %get3A_155] {strides = array<i32>} : memref<320x64xf32, #tpu.memory_space<vmem>>, vector<1x16xf32>,
      %get3A_157 = vector.shape_cast %get3A_156 : vector<1x16xf32> to vector<16xf32>
      %add3A_158 = arith.addf %add3A_151, %get3A_157 : vector<16xf32>
      %mul3A_159 = arith.constant 1.000000e-01 : f32
      %mul3A_160 = vector.broadcast %mul3A_159 : f32 to vector<16xf32>
      %mul3A_161 = arith.mulf %add3A_158, %mul3A_160 : vector<16xf32>
      %swap3A_162 = arith.index_cast %scan3A_15 : i32 to index
      %swap3A_163 = arith.constant 16 : index
      %swap3A_164 = tpu.vector_load %arg7[%swap3A_162, %swap3A_163] {strides = array<i32>} : memref<32x64xf32, #tpu.memory_space<vmem>>, vector<1x16xf32>,
      %swap3A_165 = vector.shape_cast %swap3A_164 : vector<1x16xf32> to vector<16xf32>
      %swap3A_166 = vector.shape_cast %mul3A_161 : vector<16xf32> to vector<1x16xf32>
      tpu.vector_store %arg7[%swap3A_162, %swap3A_163], %swap3A_166 {strides = array<i32>} : memref<32x64xf32, #tpu.memory_space<vmem>>, vector<1x16xf32>,
      %get3A_167 = arith.index_cast %mul3A_18 : i32 to index
      %get3A_168 = arith.constant 32 : index
      %get3A_169 = tpu.vector_load %arg6[%get3A_167, %get3A_168] {strides = array<i32>} : memref<320x64xf32, #tpu.memory_space<vmem>>, vector<1x16xf32>,
      %get3A_170 = vector.shape_cast %get3A_169 : vector<1x16xf32> to vector<16xf32>
      %add3A_171 = arith.constant 1 : i32
      %add3A_172 = arith.addi %mul3A_18, %add3A_171 : i32
      %get3A_173 = arith.index_cast %add3A_172 : i32 to index
      %get3A_174 = arith.constant 32 : index
      %get3A_175 = tpu.vector_load %arg6[%get3A_173, %get3A_174] {strides = array<i32>} : memref<320x64xf32, #tpu.memory_space<vmem>>, vector<1x16xf32>,
      %get3A_176 = vector.shape_cast %get3A_175 : vector<1x16xf32> to vector<16xf32>
      %add3A_177 = arith.addf %get3A_170, %get3A_176 : vector<16xf32>
      %add3A_178 = arith.constant 2 : i32
      %add3A_179 = arith.addi %mul3A_18, %add3A_178 : i32
      %get3A_180 = arith.index_cast %add3A_179 : i32 to index
      %get3A_181 = arith.constant 32 : index
      %get3A_182 = tpu.vector_load %arg6[%get3A_180, %get3A_181] {strides = array<i32>} : memref<320x64xf32, #tpu.memory_space<vmem>>, vector<1x16xf32>,
      %get3A_183 = vector.shape_cast %get3A_182 : vector<1x16xf32> to vector<16xf32>
      %add3A_184 = arith.addf %add3A_177, %get3A_183 : vector<16xf32>
      %add3A_185 = arith.constant 3 : i32
      %add3A_186 = arith.addi %mul3A_18, %add3A_185 : i32
      %get3A_187 = arith.index_cast %add3A_186 : i32 to index
      %get3A_188 = arith.constant 32 : index
      %get3A_189 = tpu.vector_load %arg6[%get3A_187, %get3A_188] {strides = array<i32>} : memref<320x64xf32, #tpu.memory_space<vmem>>, vector<1x16xf32>,
      %get3A_190 = vector.shape_cast %get3A_189 : vector<1x16xf32> to vector<16xf32>
      %add3A_191 = arith.addf %add3A_184, %get3A_190 : vector<16xf32>
      %add3A_192 = arith.constant 4 : i32
      %add3A_193 = arith.addi %mul3A_18, %add3A_192 : i32
      %get3A_194 = arith.index_cast %add3A_193 : i32 to index
      %get3A_195 = arith.constant 32 : index
      %get3A_196 = tpu.vector_load %arg6[%get3A_194, %get3A_195] {strides = array<i32>} : memref<320x64xf32, #tpu.memory_space<vmem>>, vector<1x16xf32>,
      %get3A_197 = vector.shape_cast %get3A_196 : vector<1x16xf32> to vector<16xf32>
      %add3A_198 = arith.addf %add3A_191, %get3A_197 : vector<16xf32>
      %add3A_199 = arith.constant 5 : i32
      %add3A_200 = arith.addi %mul3A_18, %add3A_199 : i32
      %get3A_201 = arith.index_cast %add3A_200 : i32 to index
      %get3A_202 = arith.constant 32 : index
      %get3A_203 = tpu.vector_load %arg6[%get3A_201, %get3A_202] {strides = array<i32>} : memref<320x64xf32, #tpu.memory_space<vmem>>, vector<1x16xf32>,
      %get3A_204 = vector.shape_cast %get3A_203 : vector<1x16xf32> to vector<16xf32>
      %add3A_205 = arith.addf %add3A_198, %get3A_204 : vector<16xf32>
      %add3A_206 = arith.constant 6 : i32
      %add3A_207 = arith.addi %mul3A_18, %add3A_206 : i32
      %get3A_208 = arith.index_cast %add3A_207 : i32 to index
      %get3A_209 = arith.constant 32 : index
      %get3A_210 = tpu.vector_load %arg6[%get3A_208, %get3A_209] {strides = array<i32>} : memref<320x64xf32, #tpu.memory_space<vmem>>, vector<1x16xf32>,
      %get3A_211 = vector.shape_cast %get3A_210 : vector<1x16xf32> to vector<16xf32>
      %add3A_212 = arith.addf %add3A_205, %get3A_211 : vector<16xf32>
      %add3A_213 = arith.constant 7 : i32
      %add3A_214 = arith.addi %mul3A_18, %add3A_213 : i32
      %get3A_215 = arith.index_cast %add3A_214 : i32 to index
      %get3A_216 = arith.constant 32 : index
      %get3A_217 = tpu.vector_load %arg6[%get3A_215, %get3A_216] {strides = array<i32>} : memref<320x64xf32, #tpu.memory_space<vmem>>, vector<1x16xf32>,
      %get3A_218 = vector.shape_cast %get3A_217 : vector<1x16xf32> to vector<16xf32>
      %add3A_219 = arith.addf %add3A_212, %get3A_218 : vector<16xf32>
      %add3A_220 = arith.constant 8 : i32
      %add3A_221 = arith.addi %mul3A_18, %add3A_220 : i32
      %get3A_222 = arith.index_cast %add3A_221 : i32 to index
      %get3A_223 = arith.constant 32 : index
      %get3A_224 = tpu.vector_load %arg6[%get3A_222, %get3A_223] {strides = array<i32>} : memref<320x64xf32, #tpu.memory_space<vmem>>, vector<1x16xf32>,
      %get3A_225 = vector.shape_cast %get3A_224 : vector<1x16xf32> to vector<16xf32>
      %add3A_226 = arith.addf %add3A_219, %get3A_225 : vector<16xf32>
      %add3A_227 = arith.constant 9 : i32
      %add3A_228 = arith.addi %mul3A_18, %add3A_227 : i32
      %get3A_229 = arith.index_cast %add3A_228 : i32 to index
      %get3A_230 = arith.constant 32 : index
      %get3A_231 = tpu.vector_load %arg6[%get3A_229, %get3A_230] {strides = array<i32>} : memref<320x64xf32, #tpu.memory_space<vmem>>, vector<1x16xf32>,
      %get3A_232 = vector.shape_cast %get3A_231 : vector<1x16xf32> to vector<16xf32>
      %add3A_233 = arith.addf %add3A_226, %get3A_232 : vector<16xf32>
      %mul3A_234 = arith.constant 1.000000e-01 : f32
      %mul3A_235 = vector.broadcast %mul3A_234 : f32 to vector<16xf32>
      %mul3A_236 = arith.mulf %add3A_233, %mul3A_235 : vector<16xf32>
      %swap3A_237 = arith.index_cast %scan3A_15 : i32 to index
      %swap3A_238 = arith.constant 32 : index
      %swap3A_239 = tpu.vector_load %arg7[%swap3A_237, %swap3A_238] {strides = array<i32>} : memref<32x64xf32, #tpu.memory_space<vmem>>, vector<1x16xf32>,
      %swap3A_240 = vector.shape_cast %swap3A_239 : vector<1x16xf32> to vector<16xf32>
      %swap3A_241 = vector.shape_cast %mul3A_236 : vector<16xf32> to vector<1x16xf32>
      tpu.vector_store %arg7[%swap3A_237, %swap3A_238], %swap3A_241 {strides = array<i32>} : memref<32x64xf32, #tpu.memory_space<vmem>>, vector<1x16xf32>,
      %get3A_242 = arith.index_cast %mul3A_18 : i32 to index
      %get3A_243 = arith.constant 48 : index
      %get3A_244 = tpu.vector_load %arg6[%get3A_242, %get3A_243] {strides = array<i32>} : memref<320x64xf32, #tpu.memory_space<vmem>>, vector<1x16xf32>,
      %get3A_245 = vector.shape_cast %get3A_244 : vector<1x16xf32> to vector<16xf32>
      %add3A_246 = arith.constant 1 : i32
      %add3A_247 = arith.addi %mul3A_18, %add3A_246 : i32
      %get3A_248 = arith.index_cast %add3A_247 : i32 to index
      %get3A_249 = arith.constant 48 : index
      %get3A_250 = tpu.vector_load %arg6[%get3A_248, %get3A_249] {strides = array<i32>} : memref<320x64xf32, #tpu.memory_space<vmem>>, vector<1x16xf32>,
      %get3A_251 = vector.shape_cast %get3A_250 : vector<1x16xf32> to vector<16xf32>
      %add3A_252 = arith.addf %get3A_245, %get3A_251 : vector<16xf32>
      %add3A_253 = arith.constant 2 : i32
      %add3A_254 = arith.addi %mul3A_18, %add3A_253 : i32
      %get3A_255 = arith.index_cast %add3A_254 : i32 to index
      %get3A_256 = arith.constant 48 : index
      %get3A_257 = tpu.vector_load %arg6[%get3A_255, %get3A_256] {strides = array<i32>} : memref<320x64xf32, #tpu.memory_space<vmem>>, vector<1x16xf32>,
      %get3A_258 = vector.shape_cast %get3A_257 : vector<1x16xf32> to vector<16xf32>
      %add3A_259 = arith.addf %add3A_252, %get3A_258 : vector<16xf32>
      %add3A_260 = arith.constant 3 : i32
      %add3A_261 = arith.addi %mul3A_18, %add3A_260 : i32
      %get3A_262 = arith.index_cast %add3A_261 : i32 to index
      %get3A_263 = arith.constant 48 : index
      %get3A_264 = tpu.vector_load %arg6[%get3A_262, %get3A_263] {strides = array<i32>} : memref<320x64xf32, #tpu.memory_space<vmem>>, vector<1x16xf32>,
      %get3A_265 = vector.shape_cast %get3A_264 : vector<1x16xf32> to vector<16xf32>
      %add3A_266 = arith.addf %add3A_259, %get3A_265 : vector<16xf32>
      %add3A_267 = arith.constant 4 : i32
      %add3A_268 = arith.addi %mul3A_18, %add3A_267 : i32
      %get3A_269 = arith.index_cast %add3A_268 : i32 to index
      %get3A_270 = arith.constant 48 : index
      %get3A_271 = tpu.vector_load %arg6[%get3A_269, %get3A_270] {strides = array<i32>} : memref<320x64xf32, #tpu.memory_space<vmem>>, vector<1x16xf32>,
      %get3A_272 = vector.shape_cast %get3A_271 : vector<1x16xf32> to vector<16xf32>
      %add3A_273 = arith.addf %add3A_266, %get3A_272 : vector<16xf32>
      %add3A_274 = arith.constant 5 : i32
      %add3A_275 = arith.addi %mul3A_18, %add3A_274 : i32
      %get3A_276 = arith.index_cast %add3A_275 : i32 to index
      %get3A_277 = arith.constant 48 : index
      %get3A_278 = tpu.vector_load %arg6[%get3A_276, %get3A_277] {strides = array<i32>} : memref<320x64xf32, #tpu.memory_space<vmem>>, vector<1x16xf32>,
      %get3A_279 = vector.shape_cast %get3A_278 : vector<1x16xf32> to vector<16xf32>
      %add3A_280 = arith.addf %add3A_273, %get3A_279 : vector<16xf32>
      %add3A_281 = arith.constant 6 : i32
      %add3A_282 = arith.addi %mul3A_18, %add3A_281 : i32
      %get3A_283 = arith.index_cast %add3A_282 : i32 to index
      %get3A_284 = arith.constant 48 : index
      %get3A_285 = tpu.vector_load %arg6[%get3A_283, %get3A_284] {strides = array<i32>} : memref<320x64xf32, #tpu.memory_space<vmem>>, vector<1x16xf32>,
      %get3A_286 = vector.shape_cast %get3A_285 : vector<1x16xf32> to vector<16xf32>
      %add3A_287 = arith.addf %add3A_280, %get3A_286 : vector<16xf32>
      %add3A_288 = arith.constant 7 : i32
      %add3A_289 = arith.addi %mul3A_18, %add3A_288 : i32
      %get3A_290 = arith.index_cast %add3A_289 : i32 to index
      %get3A_291 = arith.constant 48 : index
      %get3A_292 = tpu.vector_load %arg6[%get3A_290, %get3A_291] {strides = array<i32>} : memref<320x64xf32, #tpu.memory_space<vmem>>, vector<1x16xf32>,
      %get3A_293 = vector.shape_cast %get3A_292 : vector<1x16xf32> to vector<16xf32>
      %add3A_294 = arith.addf %add3A_287, %get3A_293 : vector<16xf32>
      %add3A_295 = arith.constant 8 : i32
      %add3A_296 = arith.addi %mul3A_18, %add3A_295 : i32
      %get3A_297 = arith.index_cast %add3A_296 : i32 to index
      %get3A_298 = arith.constant 48 : index
      %get3A_299 = tpu.vector_load %arg6[%get3A_297, %get3A_298] {strides = array<i32>} : memref<320x64xf32, #tpu.memory_space<vmem>>, vector<1x16xf32>,
      %get3A_300 = vector.shape_cast %get3A_299 : vector<1x16xf32> to vector<16xf32>
      %add3A_301 = arith.addf %add3A_294, %get3A_300 : vector<16xf32>
      %add3A_302 = arith.constant 9 : i32
      %add3A_303 = arith.addi %mul3A_18, %add3A_302 : i32
      %get3A_304 = arith.index_cast %add3A_303 : i32 to index
      %get3A_305 = arith.constant 48 : index
      %get3A_306 = tpu.vector_load %arg6[%get3A_304, %get3A_305] {strides = array<i32>} : memref<320x64xf32, #tpu.memory_space<vmem>>, vector<1x16xf32>,
      %get3A_307 = vector.shape_cast %get3A_306 : vector<1x16xf32> to vector<16xf32>
      %add3A_308 = arith.addf %add3A_301, %get3A_307 : vector<16xf32>
      %mul3A_309 = arith.constant 1.000000e-01 : f32
      %mul3A_310 = vector.broadcast %mul3A_309 : f32 to vector<16xf32>
      %mul3A_311 = arith.mulf %add3A_308, %mul3A_310 : vector<16xf32>
      %swap3A_312 = arith.index_cast %scan3A_15 : i32 to index
      %swap3A_313 = arith.constant 48 : index
      %swap3A_314 = tpu.vector_load %arg7[%swap3A_312, %swap3A_313] {strides = array<i32>} : memref<32x64xf32, #tpu.memory_space<vmem>>, vector<1x16xf32>,
      %swap3A_315 = vector.shape_cast %swap3A_314 : vector<1x16xf32> to vector<16xf32>
      %swap3A_316 = vector.shape_cast %mul3A_311 : vector<16xf32> to vector<1x16xf32>
      tpu.vector_store %arg7[%swap3A_312, %swap3A_313], %swap3A_316 {strides = array<i32>} : memref<32x64xf32, #tpu.memory_space<vmem>>, vector<1x16xf32>,
      %scan3A_317 = arith.constant 0 : i32
      scf.yield %scan3A_317 : i32
    }
    %scan3A_12 = arith.constant 32 : i32
    %mul3A_13 = arith.constant 32 : i32
    %mul3A_14 = arith.muli %add3A, %mul3A_13 : i32
    "tpu.region"() ({
      %run_scoped3A = tpu.sem_alloc : memref<!tpu.dma_semaphore, #tpu.memory_space<semaphore_mem>>
      %dma_start3A_15 = arith.constant 0 : i32
      %dma_start3A_16 = tpu.memref_slice %arg4[%mul3A_14, %dma_start3A_15] : memref<1024x64xf32, #tpu.memory_space<hbm>> -> memref<32x64xf32, #tpu.memory_space<hbm>>
      %dma_start3A_17 = arith.constant 0 : i32
      %dma_start3A_18 = tpu.memref_slice %arg4[%mul3A_14, %dma_start3A_17] : memref<1024x64xf32, #tpu.memory_space<hbm>> -> memref<32x64xf32, #tpu.memory_space<hbm>>
      tpu.enqueue_dma source(%arg7 : memref<32x64xf32, #tpu.memory_space<vmem>>) target(%dma_start3A_18 : memref<32x64xf32, #tpu.memory_space<hbm>>) target_semaphore(%run_scoped3A : memref<!tpu.dma_semaphore, #tpu.memory_space<semaphore_mem>>)
      %dma_wait3A_19 = arith.constant 0 : i32
      %dma_wait3A_20 = tpu.memref_slice %arg4[%mul3A_14, %dma_wait3A_19] : memref<1024x64xf32, #tpu.memory_space<hbm>> -> memref<32x64xf32, #tpu.memory_space<hbm>>
      %dma_wait3A_21 = arith.constant 0 : i32
      %dma_wait3A_22 = tpu.memref_slice %arg4[%mul3A_14, %dma_wait3A_21] : memref<1024x64xf32, #tpu.memory_space<hbm>> -> memref<32x64xf32, #tpu.memory_space<hbm>>
      tpu.wait_dma2 semaphore(%run_scoped3A : memref<!tpu.dma_semaphore, #tpu.memory_space<semaphore_mem>>) src(%arg7 : memref<32x64xf32, #tpu.memory_space<vmem>>) dst(%dma_wait3A_22 : memref<32x64xf32, #tpu.memory_space<hbm>>)
      tpu.yield
    }) : () -> ()
    return
  }
}

module attributes {stable_mosaic.version = 14 : i64} {
  func.func @_fused_body(%arg0: i32, %arg1: i32, %arg2: memref<256x64xf32, #tpu.memory_space<vmem>>, %arg3: memref<65x2048xf32, #tpu.memory_space<vmem>>, %arg4: memref<2048x256xf32, #tpu.memory_space<vmem>>, %arg5: memref<65x1024xf32, #tpu.memory_space<vmem>>, %arg6: memref<1x1024xf32, #tpu.memory_space<vmem>>) attributes {dimension_semantics = [#tpu.dimension_semantics<arbitrary>, #tpu.dimension_semantics<arbitrary>], iteration_bounds = array<i64: 5, 49>, scalar_prefetch = 0 : i64, scratch_operands = 2 : i64, tpu.core_type = #tpu.core_type<tc>, window_params = [{transform_indices = @transform_0, window_bounds = array<i64: 256, 64>}, {transform_indices = @transform_1, window_bounds = array<i64: 65, 2048>}, {transform_indices = @transform_2, window_bounds = array<i64: 2048, 256>}]} {
    %lt3A = arith.constant 4 : i32
    %lt3A_0 = arith.cmpi slt, %arg0, %lt3A : i32
    %convert_element_type3A = arith.extui %lt3A_0 : i1 to i32
    %cond3A = arith.constant 0 : i32
    %cond3A_1 = arith.cmpi ne, %convert_element_type3A, %cond3A : i32
    scf.if %cond3A_1 {
      %eq3A = arith.constant 0 : i32
      %eq3A_6 = arith.cmpi eq, %arg0, %eq3A : i32
      %convert_element_type3A_7 = arith.extui %eq3A_6 : i1 to i32
      %cond3A_8 = arith.constant 0 : i32
      %cond3A_9 = arith.cmpi ne, %convert_element_type3A_7, %cond3A_8 : i32
      scf.if %cond3A_9 {
        %eq3A_25 = arith.constant 0 : i32
        %eq3A_26 = arith.cmpi eq, %arg1, %eq3A_25 : i32
        %convert_element_type3A_27 = arith.extui %eq3A_26 : i1 to i32
        %cond3A_28 = arith.constant 0 : i32
        %cond3A_29 = arith.cmpi ne, %convert_element_type3A_27, %cond3A_28 : i32
        scf.if %cond3A_29 {
          %get3A_47 = arith.constant 0 : index
          %get3A_48 = arith.constant 0 : index
          %get3A_49 = vector.load %arg2[%get3A_47, %get3A_48] : memref<256x64xf32, #tpu.memory_space<vmem>>, vector<256x64xf32>
          %transpose3A = tpu.transpose %get3A_49, [1, 0] : vector<256x64xf32> -> vector<64x256xf32>
          %swap3A = arith.constant 0 : index
          %swap3A_50 = arith.constant 0 : index
          %swap3A_51 = vector.load %arg5[%swap3A, %swap3A_50] : memref<65x1024xf32, #tpu.memory_space<vmem>>, vector<64x256xf32>
          tpu.vector_store %arg5[%swap3A, %swap3A_50], %transpose3A {strides = array<i32>} : memref<65x1024xf32, #tpu.memory_space<vmem>>, vector<64x256xf32>,
          %broadcast_in_dim3A_52 = arith.constant 1.000000e+00 : f32
          %broadcast_in_dim3A_53 = vector.broadcast %broadcast_in_dim3A_52 : f32 to vector<1x256xf32>
          %swap3A_54 = arith.constant 64 : index
          %swap3A_55 = arith.constant 0 : index
          %swap3A_56 = vector.load %arg5[%swap3A_54, %swap3A_55] : memref<65x1024xf32, #tpu.memory_space<vmem>>, vector<1x256xf32>
          tpu.vector_store %arg5[%swap3A_54, %swap3A_55], %broadcast_in_dim3A_53 {strides = array<i32>} : memref<65x1024xf32, #tpu.memory_space<vmem>>, vector<1x256xf32>,
        } else {
        }
        %get3A = arith.constant 0 : index
        %get3A_30 = arith.constant 0 : index
        %get3A_31 = vector.load %arg3[%get3A, %get3A_30] : memref<65x2048xf32, #tpu.memory_space<vmem>>, vector<65x2048xf32>
        %get3A_32 = arith.constant 0 : index
        %get3A_33 = arith.constant 0 : index
        %get3A_34 = vector.load %arg5[%get3A_32, %get3A_33] : memref<65x1024xf32, #tpu.memory_space<vmem>>, vector<65x256xf32>
        %dot_general3A = arith.constant dense<0.000000e+00> : vector<2048x256xf32>
        %dot_general3A_35 = tpu.matmul %get3A_31, %get3A_34, %dot_general3A {dimension_numbers = #tpu.dot_dimension_numbers<[0], [0], [1], [1], [0, 1, 1, 1], [], []>, transpose_lhs_hint = false} : vector<65x2048xf32>, vector<65x256xf32>, vector<2048x256xf32> -> vector<2048x256xf32>
        %exp3A = math.exp %dot_general3A_35 : vector<2048x256xf32>
        %reduce_sum3A = arith.constant dense<0.000000e+00> : vector<256xf32>
        %reduce_sum3A_36 = vector.multi_reduction <add>, %exp3A, %reduce_sum3A [0] : vector<2048x256xf32> to vector<256xf32>
        %broadcast_in_dim3A = vector.shape_cast %reduce_sum3A_36 : vector<256xf32> to vector<1x256xf32>
        %eq3A_37 = arith.constant 0 : i32
        %eq3A_38 = arith.cmpi eq, %arg1, %eq3A_37 : i32
        %convert_element_type3A_39 = arith.extui %eq3A_38 : i1 to i32
        %cond3A_40 = arith.constant 0 : i32
        %cond3A_41 = arith.cmpi ne, %convert_element_type3A_39, %cond3A_40 : i32
        scf.if %cond3A_41 {
          %swap3A = arith.constant 0 : index
          %swap3A_47 = arith.constant 0 : index
          %swap3A_48 = vector.load %arg6[%swap3A, %swap3A_47] : memref<1x1024xf32, #tpu.memory_space<vmem>>, vector<1x256xf32>
          tpu.vector_store %arg6[%swap3A, %swap3A_47], %broadcast_in_dim3A {strides = array<i32>} : memref<1x1024xf32, #tpu.memory_space<vmem>>, vector<1x256xf32>,
        } else {
        }
        %gt3A_42 = arith.constant 0 : i32
        %gt3A_43 = arith.cmpi sgt, %arg1, %gt3A_42 : i32
        %convert_element_type3A_44 = arith.extui %gt3A_43 : i1 to i32
        %cond3A_45 = arith.constant 0 : i32
        %cond3A_46 = arith.cmpi ne, %convert_element_type3A_44, %cond3A_45 : i32
        scf.if %cond3A_46 {
          %get3A_47 = arith.constant 0 : index
          %get3A_48 = arith.constant 0 : index
          %get3A_49 = vector.load %arg6[%get3A_47, %get3A_48] : memref<1x1024xf32, #tpu.memory_space<vmem>>, vector<1x256xf32>
          %add3A = arith.addf %get3A_49, %broadcast_in_dim3A : vector<1x256xf32>
          %swap3A = arith.constant 0 : index
          %swap3A_50 = arith.constant 0 : index
          %swap3A_51 = vector.load %arg6[%swap3A, %swap3A_50] : memref<1x1024xf32, #tpu.memory_space<vmem>>, vector<1x256xf32>
          tpu.vector_store %arg6[%swap3A, %swap3A_50], %add3A {strides = array<i32>} : memref<1x1024xf32, #tpu.memory_space<vmem>>, vector<1x256xf32>,
        } else {
        }
      } else {
      }
      %eq3A_10 = arith.constant 1 : i32
      %eq3A_11 = arith.cmpi eq, %arg0, %eq3A_10 : i32
      %convert_element_type3A_12 = arith.extui %eq3A_11 : i1 to i32
      %cond3A_13 = arith.constant 0 : i32
      %cond3A_14 = arith.cmpi ne, %convert_element_type3A_12, %cond3A_13 : i32
      scf.if %cond3A_14 {
        %eq3A_25 = arith.constant 0 : i32
        %eq3A_26 = arith.cmpi eq, %arg1, %eq3A_25 : i32
        %convert_element_type3A_27 = arith.extui %eq3A_26 : i1 to i32
        %cond3A_28 = arith.constant 0 : i32
        %cond3A_29 = arith.cmpi ne, %convert_element_type3A_27, %cond3A_28 : i32
        scf.if %cond3A_29 {
          %get3A_47 = arith.constant 0 : index
          %get3A_48 = arith.constant 0 : index
          %get3A_49 = vector.load %arg2[%get3A_47, %get3A_48] : memref<256x64xf32, #tpu.memory_space<vmem>>, vector<256x64xf32>
          %transpose3A = tpu.transpose %get3A_49, [1, 0] : vector<256x64xf32> -> vector<64x256xf32>
          %swap3A = arith.constant 0 : index
          %swap3A_50 = arith.constant 256 : index
          %swap3A_51 = vector.load %arg5[%swap3A, %swap3A_50] : memref<65x1024xf32, #tpu.memory_space<vmem>>, vector<64x256xf32>
          tpu.vector_store %arg5[%swap3A, %swap3A_50], %transpose3A {strides = array<i32>} : memref<65x1024xf32, #tpu.memory_space<vmem>>, vector<64x256xf32>,
          %broadcast_in_dim3A_52 = arith.constant 1.000000e+00 : f32
          %broadcast_in_dim3A_53 = vector.broadcast %broadcast_in_dim3A_52 : f32 to vector<1x256xf32>
          %swap3A_54 = arith.constant 64 : index
          %swap3A_55 = arith.constant 256 : index
          %swap3A_56 = vector.load %arg5[%swap3A_54, %swap3A_55] : memref<65x1024xf32, #tpu.memory_space<vmem>>, vector<1x256xf32>
          tpu.vector_store %arg5[%swap3A_54, %swap3A_55], %broadcast_in_dim3A_53 {strides = array<i32>} : memref<65x1024xf32, #tpu.memory_space<vmem>>, vector<1x256xf32>,
        } else {
        }
        %get3A = arith.constant 0 : index
        %get3A_30 = arith.constant 0 : index
        %get3A_31 = vector.load %arg3[%get3A, %get3A_30] : memref<65x2048xf32, #tpu.memory_space<vmem>>, vector<65x2048xf32>
        %get3A_32 = arith.constant 0 : index
        %get3A_33 = arith.constant 256 : index
        %get3A_34 = vector.load %arg5[%get3A_32, %get3A_33] : memref<65x1024xf32, #tpu.memory_space<vmem>>, vector<65x256xf32>
        %dot_general3A = arith.constant dense<0.000000e+00> : vector<2048x256xf32>
        %dot_general3A_35 = tpu.matmul %get3A_31, %get3A_34, %dot_general3A {dimension_numbers = #tpu.dot_dimension_numbers<[0], [0], [1], [1], [0, 1, 1, 1], [], []>, transpose_lhs_hint = false} : vector<65x2048xf32>, vector<65x256xf32>, vector<2048x256xf32> -> vector<2048x256xf32>
        %exp3A = math.exp %dot_general3A_35 : vector<2048x256xf32>
        %reduce_sum3A = arith.constant dense<0.000000e+00> : vector<256xf32>
        %reduce_sum3A_36 = vector.multi_reduction <add>, %exp3A, %reduce_sum3A [0] : vector<2048x256xf32> to vector<256xf32>
        %broadcast_in_dim3A = vector.shape_cast %reduce_sum3A_36 : vector<256xf32> to vector<1x256xf32>
        %eq3A_37 = arith.constant 0 : i32
        %eq3A_38 = arith.cmpi eq, %arg1, %eq3A_37 : i32
        %convert_element_type3A_39 = arith.extui %eq3A_38 : i1 to i32
        %cond3A_40 = arith.constant 0 : i32
        %cond3A_41 = arith.cmpi ne, %convert_element_type3A_39, %cond3A_40 : i32
        scf.if %cond3A_41 {
          %swap3A = arith.constant 0 : index
          %swap3A_47 = arith.constant 256 : index
          %swap3A_48 = vector.load %arg6[%swap3A, %swap3A_47] : memref<1x1024xf32, #tpu.memory_space<vmem>>, vector<1x256xf32>
          tpu.vector_store %arg6[%swap3A, %swap3A_47], %broadcast_in_dim3A {strides = array<i32>} : memref<1x1024xf32, #tpu.memory_space<vmem>>, vector<1x256xf32>,
        } else {
        }
        %gt3A_42 = arith.constant 0 : i32
        %gt3A_43 = arith.cmpi sgt, %arg1, %gt3A_42 : i32
        %convert_element_type3A_44 = arith.extui %gt3A_43 : i1 to i32
        %cond3A_45 = arith.constant 0 : i32
        %cond3A_46 = arith.cmpi ne, %convert_element_type3A_44, %cond3A_45 : i32
        scf.if %cond3A_46 {
          %get3A_47 = arith.constant 0 : index
          %get3A_48 = arith.constant 256 : index
          %get3A_49 = vector.load %arg6[%get3A_47, %get3A_48] : memref<1x1024xf32, #tpu.memory_space<vmem>>, vector<1x256xf32>
          %add3A = arith.addf %get3A_49, %broadcast_in_dim3A : vector<1x256xf32>
          %swap3A = arith.constant 0 : index
          %swap3A_50 = arith.constant 256 : index
          %swap3A_51 = vector.load %arg6[%swap3A, %swap3A_50] : memref<1x1024xf32, #tpu.memory_space<vmem>>, vector<1x256xf32>
          tpu.vector_store %arg6[%swap3A, %swap3A_50], %add3A {strides = array<i32>} : memref<1x1024xf32, #tpu.memory_space<vmem>>, vector<1x256xf32>,
        } else {
        }
      } else {
      }
      %eq3A_15 = arith.constant 2 : i32
      %eq3A_16 = arith.cmpi eq, %arg0, %eq3A_15 : i32
      %convert_element_type3A_17 = arith.extui %eq3A_16 : i1 to i32
      %cond3A_18 = arith.constant 0 : i32
      %cond3A_19 = arith.cmpi ne, %convert_element_type3A_17, %cond3A_18 : i32
      scf.if %cond3A_19 {
        %eq3A_25 = arith.constant 0 : i32
        %eq3A_26 = arith.cmpi eq, %arg1, %eq3A_25 : i32
        %convert_element_type3A_27 = arith.extui %eq3A_26 : i1 to i32
        %cond3A_28 = arith.constant 0 : i32
        %cond3A_29 = arith.cmpi ne, %convert_element_type3A_27, %cond3A_28 : i32
        scf.if %cond3A_29 {
          %get3A_47 = arith.constant 0 : index
          %get3A_48 = arith.constant 0 : index
          %get3A_49 = vector.load %arg2[%get3A_47, %get3A_48] : memref<256x64xf32, #tpu.memory_space<vmem>>, vector<256x64xf32>
          %transpose3A = tpu.transpose %get3A_49, [1, 0] : vector<256x64xf32> -> vector<64x256xf32>
          %swap3A = arith.constant 0 : index
          %swap3A_50 = arith.constant 512 : index
          %swap3A_51 = vector.load %arg5[%swap3A, %swap3A_50] : memref<65x1024xf32, #tpu.memory_space<vmem>>, vector<64x256xf32>
          tpu.vector_store %arg5[%swap3A, %swap3A_50], %transpose3A {strides = array<i32>} : memref<65x1024xf32, #tpu.memory_space<vmem>>, vector<64x256xf32>,
          %broadcast_in_dim3A_52 = arith.constant 1.000000e+00 : f32
          %broadcast_in_dim3A_53 = vector.broadcast %broadcast_in_dim3A_52 : f32 to vector<1x256xf32>
          %swap3A_54 = arith.constant 64 : index
          %swap3A_55 = arith.constant 512 : index
          %swap3A_56 = vector.load %arg5[%swap3A_54, %swap3A_55] : memref<65x1024xf32, #tpu.memory_space<vmem>>, vector<1x256xf32>
          tpu.vector_store %arg5[%swap3A_54, %swap3A_55], %broadcast_in_dim3A_53 {strides = array<i32>} : memref<65x1024xf32, #tpu.memory_space<vmem>>, vector<1x256xf32>,
        } else {
        }
        %get3A = arith.constant 0 : index
        %get3A_30 = arith.constant 0 : index
        %get3A_31 = vector.load %arg3[%get3A, %get3A_30] : memref<65x2048xf32, #tpu.memory_space<vmem>>, vector<65x2048xf32>
        %get3A_32 = arith.constant 0 : index
        %get3A_33 = arith.constant 512 : index
        %get3A_34 = vector.load %arg5[%get3A_32, %get3A_33] : memref<65x1024xf32, #tpu.memory_space<vmem>>, vector<65x256xf32>
        %dot_general3A = arith.constant dense<0.000000e+00> : vector<2048x256xf32>
        %dot_general3A_35 = tpu.matmul %get3A_31, %get3A_34, %dot_general3A {dimension_numbers = #tpu.dot_dimension_numbers<[0], [0], [1], [1], [0, 1, 1, 1], [], []>, transpose_lhs_hint = false} : vector<65x2048xf32>, vector<65x256xf32>, vector<2048x256xf32> -> vector<2048x256xf32>
        %exp3A = math.exp %dot_general3A_35 : vector<2048x256xf32>
        %reduce_sum3A = arith.constant dense<0.000000e+00> : vector<256xf32>
        %reduce_sum3A_36 = vector.multi_reduction <add>, %exp3A, %reduce_sum3A [0] : vector<2048x256xf32> to vector<256xf32>
        %broadcast_in_dim3A = vector.shape_cast %reduce_sum3A_36 : vector<256xf32> to vector<1x256xf32>
        %eq3A_37 = arith.constant 0 : i32
        %eq3A_38 = arith.cmpi eq, %arg1, %eq3A_37 : i32
        %convert_element_type3A_39 = arith.extui %eq3A_38 : i1 to i32
        %cond3A_40 = arith.constant 0 : i32
        %cond3A_41 = arith.cmpi ne, %convert_element_type3A_39, %cond3A_40 : i32
        scf.if %cond3A_41 {
          %swap3A = arith.constant 0 : index
          %swap3A_47 = arith.constant 512 : index
          %swap3A_48 = vector.load %arg6[%swap3A, %swap3A_47] : memref<1x1024xf32, #tpu.memory_space<vmem>>, vector<1x256xf32>
          tpu.vector_store %arg6[%swap3A, %swap3A_47], %broadcast_in_dim3A {strides = array<i32>} : memref<1x1024xf32, #tpu.memory_space<vmem>>, vector<1x256xf32>,
        } else {
        }
        %gt3A_42 = arith.constant 0 : i32
        %gt3A_43 = arith.cmpi sgt, %arg1, %gt3A_42 : i32
        %convert_element_type3A_44 = arith.extui %gt3A_43 : i1 to i32
        %cond3A_45 = arith.constant 0 : i32
        %cond3A_46 = arith.cmpi ne, %convert_element_type3A_44, %cond3A_45 : i32
        scf.if %cond3A_46 {
          %get3A_47 = arith.constant 0 : index
          %get3A_48 = arith.constant 512 : index
          %get3A_49 = vector.load %arg6[%get3A_47, %get3A_48] : memref<1x1024xf32, #tpu.memory_space<vmem>>, vector<1x256xf32>
          %add3A = arith.addf %get3A_49, %broadcast_in_dim3A : vector<1x256xf32>
          %swap3A = arith.constant 0 : index
          %swap3A_50 = arith.constant 512 : index
          %swap3A_51 = vector.load %arg6[%swap3A, %swap3A_50] : memref<1x1024xf32, #tpu.memory_space<vmem>>, vector<1x256xf32>
          tpu.vector_store %arg6[%swap3A, %swap3A_50], %add3A {strides = array<i32>} : memref<1x1024xf32, #tpu.memory_space<vmem>>, vector<1x256xf32>,
        } else {
        }
      } else {
      }
      %eq3A_20 = arith.constant 3 : i32
      %eq3A_21 = arith.cmpi eq, %arg0, %eq3A_20 : i32
      %convert_element_type3A_22 = arith.extui %eq3A_21 : i1 to i32
      %cond3A_23 = arith.constant 0 : i32
      %cond3A_24 = arith.cmpi ne, %convert_element_type3A_22, %cond3A_23 : i32
      scf.if %cond3A_24 {
        %eq3A_25 = arith.constant 0 : i32
        %eq3A_26 = arith.cmpi eq, %arg1, %eq3A_25 : i32
        %convert_element_type3A_27 = arith.extui %eq3A_26 : i1 to i32
        %cond3A_28 = arith.constant 0 : i32
        %cond3A_29 = arith.cmpi ne, %convert_element_type3A_27, %cond3A_28 : i32
        scf.if %cond3A_29 {
          %get3A_47 = arith.constant 0 : index
          %get3A_48 = arith.constant 0 : index
          %get3A_49 = vector.load %arg2[%get3A_47, %get3A_48] : memref<256x64xf32, #tpu.memory_space<vmem>>, vector<256x64xf32>
          %transpose3A = tpu.transpose %get3A_49, [1, 0] : vector<256x64xf32> -> vector<64x256xf32>
          %swap3A = arith.constant 0 : index
          %swap3A_50 = arith.constant 768 : index
          %swap3A_51 = vector.load %arg5[%swap3A, %swap3A_50] : memref<65x1024xf32, #tpu.memory_space<vmem>>, vector<64x256xf32>
          tpu.vector_store %arg5[%swap3A, %swap3A_50], %transpose3A {strides = array<i32>} : memref<65x1024xf32, #tpu.memory_space<vmem>>, vector<64x256xf32>,
          %broadcast_in_dim3A_52 = arith.constant 1.000000e+00 : f32
          %broadcast_in_dim3A_53 = vector.broadcast %broadcast_in_dim3A_52 : f32 to vector<1x256xf32>
          %swap3A_54 = arith.constant 64 : index
          %swap3A_55 = arith.constant 768 : index
          %swap3A_56 = vector.load %arg5[%swap3A_54, %swap3A_55] : memref<65x1024xf32, #tpu.memory_space<vmem>>, vector<1x256xf32>
          tpu.vector_store %arg5[%swap3A_54, %swap3A_55], %broadcast_in_dim3A_53 {strides = array<i32>} : memref<65x1024xf32, #tpu.memory_space<vmem>>, vector<1x256xf32>,
        } else {
        }
        %get3A = arith.constant 0 : index
        %get3A_30 = arith.constant 0 : index
        %get3A_31 = vector.load %arg3[%get3A, %get3A_30] : memref<65x2048xf32, #tpu.memory_space<vmem>>, vector<65x2048xf32>
        %get3A_32 = arith.constant 0 : index
        %get3A_33 = arith.constant 768 : index
        %get3A_34 = vector.load %arg5[%get3A_32, %get3A_33] : memref<65x1024xf32, #tpu.memory_space<vmem>>, vector<65x256xf32>
        %dot_general3A = arith.constant dense<0.000000e+00> : vector<2048x256xf32>
        %dot_general3A_35 = tpu.matmul %get3A_31, %get3A_34, %dot_general3A {dimension_numbers = #tpu.dot_dimension_numbers<[0], [0], [1], [1], [0, 1, 1, 1], [], []>, transpose_lhs_hint = false} : vector<65x2048xf32>, vector<65x256xf32>, vector<2048x256xf32> -> vector<2048x256xf32>
        %exp3A = math.exp %dot_general3A_35 : vector<2048x256xf32>
        %reduce_sum3A = arith.constant dense<0.000000e+00> : vector<256xf32>
        %reduce_sum3A_36 = vector.multi_reduction <add>, %exp3A, %reduce_sum3A [0] : vector<2048x256xf32> to vector<256xf32>
        %broadcast_in_dim3A = vector.shape_cast %reduce_sum3A_36 : vector<256xf32> to vector<1x256xf32>
        %eq3A_37 = arith.constant 0 : i32
        %eq3A_38 = arith.cmpi eq, %arg1, %eq3A_37 : i32
        %convert_element_type3A_39 = arith.extui %eq3A_38 : i1 to i32
        %cond3A_40 = arith.constant 0 : i32
        %cond3A_41 = arith.cmpi ne, %convert_element_type3A_39, %cond3A_40 : i32
        scf.if %cond3A_41 {
          %swap3A = arith.constant 0 : index
          %swap3A_47 = arith.constant 768 : index
          %swap3A_48 = vector.load %arg6[%swap3A, %swap3A_47] : memref<1x1024xf32, #tpu.memory_space<vmem>>, vector<1x256xf32>
          tpu.vector_store %arg6[%swap3A, %swap3A_47], %broadcast_in_dim3A {strides = array<i32>} : memref<1x1024xf32, #tpu.memory_space<vmem>>, vector<1x256xf32>,
        } else {
        }
        %gt3A_42 = arith.constant 0 : i32
        %gt3A_43 = arith.cmpi sgt, %arg1, %gt3A_42 : i32
        %convert_element_type3A_44 = arith.extui %gt3A_43 : i1 to i32
        %cond3A_45 = arith.constant 0 : i32
        %cond3A_46 = arith.cmpi ne, %convert_element_type3A_44, %cond3A_45 : i32
        scf.if %cond3A_46 {
          %get3A_47 = arith.constant 0 : index
          %get3A_48 = arith.constant 768 : index
          %get3A_49 = vector.load %arg6[%get3A_47, %get3A_48] : memref<1x1024xf32, #tpu.memory_space<vmem>>, vector<1x256xf32>
          %add3A = arith.addf %get3A_49, %broadcast_in_dim3A : vector<1x256xf32>
          %swap3A = arith.constant 0 : index
          %swap3A_50 = arith.constant 768 : index
          %swap3A_51 = vector.load %arg6[%swap3A, %swap3A_50] : memref<1x1024xf32, #tpu.memory_space<vmem>>, vector<1x256xf32>
          tpu.vector_store %arg6[%swap3A, %swap3A_50], %add3A {strides = array<i32>} : memref<1x1024xf32, #tpu.memory_space<vmem>>, vector<1x256xf32>,
        } else {
        }
      } else {
      }
    } else {
    }
    %gt3A = arith.constant 0 : i32
    %gt3A_2 = arith.cmpi sgt, %arg0, %gt3A : i32
    %convert_element_type3A_3 = arith.extui %gt3A_2 : i1 to i32
    %cond3A_4 = arith.constant 0 : i32
    %cond3A_5 = arith.cmpi ne, %convert_element_type3A_3, %cond3A_4 : i32
    scf.if %cond3A_5 {
      %eq3A = arith.constant 1 : i32
      %eq3A_6 = arith.cmpi eq, %arg0, %eq3A : i32
      %convert_element_type3A_7 = arith.extui %eq3A_6 : i1 to i32
      %cond3A_8 = arith.constant 0 : i32
      %cond3A_9 = arith.cmpi ne, %convert_element_type3A_7, %cond3A_8 : i32
      scf.if %cond3A_9 {
        %get3A = arith.constant 0 : index
        %get3A_25 = arith.constant 0 : index
        %get3A_26 = vector.load %arg3[%get3A, %get3A_25] : memref<65x2048xf32, #tpu.memory_space<vmem>>, vector<65x2048xf32>
        %get3A_27 = arith.constant 0 : index
        %get3A_28 = arith.constant 0 : index
        %get3A_29 = vector.load %arg5[%get3A_27, %get3A_28] : memref<65x1024xf32, #tpu.memory_space<vmem>>, vector<65x256xf32>
        %dot_general3A = arith.constant dense<0.000000e+00> : vector<2048x256xf32>
        %dot_general3A_30 = tpu.matmul %get3A_26, %get3A_29, %dot_general3A {dimension_numbers = #tpu.dot_dimension_numbers<[0], [0], [1], [1], [0, 1, 1, 1], [], []>, transpose_lhs_hint = false} : vector<65x2048xf32>, vector<65x256xf32>, vector<2048x256xf32> -> vector<2048x256xf32>
        %exp3A = math.exp %dot_general3A_30 : vector<2048x256xf32>
        %get3A_31 = arith.constant 0 : index
        %get3A_32 = arith.constant 0 : index
        %get3A_33 = vector.load %arg6[%get3A_31, %get3A_32] : memref<1x1024xf32, #tpu.memory_space<vmem>>, vector<1x256xf32>
        %div3A = arith.constant 1.000000e+00 : f32
        %div3A_34 = vector.broadcast %div3A : f32 to vector<1x256xf32>
        %div3A_35 = arith.divf %div3A_34, %get3A_33 : vector<1x256xf32>
        %mul3A = vector.broadcast %div3A_35 : vector<1x256xf32> to vector<2048x256xf32>
        %mul3A_36 = arith.mulf %exp3A, %mul3A : vector<2048x256xf32>
        %swap3A = arith.constant 0 : index
        %swap3A_37 = arith.constant 0 : index
        %swap3A_38 = vector.load %arg4[%swap3A, %swap3A_37] : memref<2048x256xf32, #tpu.memory_space<vmem>>, vector<2048x256xf32>
        tpu.vector_store %arg4[%swap3A, %swap3A_37], %mul3A_36 {strides = array<i32>} : memref<2048x256xf32, #tpu.memory_space<vmem>>, vector<2048x256xf32>,
      } else {
      }
      %eq3A_10 = arith.constant 2 : i32
      %eq3A_11 = arith.cmpi eq, %arg0, %eq3A_10 : i32
      %convert_element_type3A_12 = arith.extui %eq3A_11 : i1 to i32
      %cond3A_13 = arith.constant 0 : i32
      %cond3A_14 = arith.cmpi ne, %convert_element_type3A_12, %cond3A_13 : i32
      scf.if %cond3A_14 {
        %get3A = arith.constant 0 : index
        %get3A_25 = arith.constant 0 : index
        %get3A_26 = vector.load %arg3[%get3A, %get3A_25] : memref<65x2048xf32, #tpu.memory_space<vmem>>, vector<65x2048xf32>
        %get3A_27 = arith.constant 0 : index
        %get3A_28 = arith.constant 256 : index
        %get3A_29 = vector.load %arg5[%get3A_27, %get3A_28] : memref<65x1024xf32, #tpu.memory_space<vmem>>, vector<65x256xf32>
        %dot_general3A = arith.constant dense<0.000000e+00> : vector<2048x256xf32>
        %dot_general3A_30 = tpu.matmul %get3A_26, %get3A_29, %dot_general3A {dimension_numbers = #tpu.dot_dimension_numbers<[0], [0], [1], [1], [0, 1, 1, 1], [], []>, transpose_lhs_hint = false} : vector<65x2048xf32>, vector<65x256xf32>, vector<2048x256xf32> -> vector<2048x256xf32>
        %exp3A = math.exp %dot_general3A_30 : vector<2048x256xf32>
        %get3A_31 = arith.constant 0 : index
        %get3A_32 = arith.constant 256 : index
        %get3A_33 = vector.load %arg6[%get3A_31, %get3A_32] : memref<1x1024xf32, #tpu.memory_space<vmem>>, vector<1x256xf32>
        %div3A = arith.constant 1.000000e+00 : f32
        %div3A_34 = vector.broadcast %div3A : f32 to vector<1x256xf32>
        %div3A_35 = arith.divf %div3A_34, %get3A_33 : vector<1x256xf32>
        %mul3A = vector.broadcast %div3A_35 : vector<1x256xf32> to vector<2048x256xf32>
        %mul3A_36 = arith.mulf %exp3A, %mul3A : vector<2048x256xf32>
        %swap3A = arith.constant 0 : index
        %swap3A_37 = arith.constant 0 : index
        %swap3A_38 = vector.load %arg4[%swap3A, %swap3A_37] : memref<2048x256xf32, #tpu.memory_space<vmem>>, vector<2048x256xf32>
        tpu.vector_store %arg4[%swap3A, %swap3A_37], %mul3A_36 {strides = array<i32>} : memref<2048x256xf32, #tpu.memory_space<vmem>>, vector<2048x256xf32>,
      } else {
      }
      %eq3A_15 = arith.constant 3 : i32
      %eq3A_16 = arith.cmpi eq, %arg0, %eq3A_15 : i32
      %convert_element_type3A_17 = arith.extui %eq3A_16 : i1 to i32
      %cond3A_18 = arith.constant 0 : i32
      %cond3A_19 = arith.cmpi ne, %convert_element_type3A_17, %cond3A_18 : i32
      scf.if %cond3A_19 {
        %get3A = arith.constant 0 : index
        %get3A_25 = arith.constant 0 : index
        %get3A_26 = vector.load %arg3[%get3A, %get3A_25] : memref<65x2048xf32, #tpu.memory_space<vmem>>, vector<65x2048xf32>
        %get3A_27 = arith.constant 0 : index
        %get3A_28 = arith.constant 512 : index
        %get3A_29 = vector.load %arg5[%get3A_27, %get3A_28] : memref<65x1024xf32, #tpu.memory_space<vmem>>, vector<65x256xf32>
        %dot_general3A = arith.constant dense<0.000000e+00> : vector<2048x256xf32>
        %dot_general3A_30 = tpu.matmul %get3A_26, %get3A_29, %dot_general3A {dimension_numbers = #tpu.dot_dimension_numbers<[0], [0], [1], [1], [0, 1, 1, 1], [], []>, transpose_lhs_hint = false} : vector<65x2048xf32>, vector<65x256xf32>, vector<2048x256xf32> -> vector<2048x256xf32>
        %exp3A = math.exp %dot_general3A_30 : vector<2048x256xf32>
        %get3A_31 = arith.constant 0 : index
        %get3A_32 = arith.constant 512 : index
        %get3A_33 = vector.load %arg6[%get3A_31, %get3A_32] : memref<1x1024xf32, #tpu.memory_space<vmem>>, vector<1x256xf32>
        %div3A = arith.constant 1.000000e+00 : f32
        %div3A_34 = vector.broadcast %div3A : f32 to vector<1x256xf32>
        %div3A_35 = arith.divf %div3A_34, %get3A_33 : vector<1x256xf32>
        %mul3A = vector.broadcast %div3A_35 : vector<1x256xf32> to vector<2048x256xf32>
        %mul3A_36 = arith.mulf %exp3A, %mul3A : vector<2048x256xf32>
        %swap3A = arith.constant 0 : index
        %swap3A_37 = arith.constant 0 : index
        %swap3A_38 = vector.load %arg4[%swap3A, %swap3A_37] : memref<2048x256xf32, #tpu.memory_space<vmem>>, vector<2048x256xf32>
        tpu.vector_store %arg4[%swap3A, %swap3A_37], %mul3A_36 {strides = array<i32>} : memref<2048x256xf32, #tpu.memory_space<vmem>>, vector<2048x256xf32>,
      } else {
      }
      %eq3A_20 = arith.constant 4 : i32
      %eq3A_21 = arith.cmpi eq, %arg0, %eq3A_20 : i32
      %convert_element_type3A_22 = arith.extui %eq3A_21 : i1 to i32
      %cond3A_23 = arith.constant 0 : i32
      %cond3A_24 = arith.cmpi ne, %convert_element_type3A_22, %cond3A_23 : i32
      scf.if %cond3A_24 {
        %get3A = arith.constant 0 : index
        %get3A_25 = arith.constant 0 : index
        %get3A_26 = vector.load %arg3[%get3A, %get3A_25] : memref<65x2048xf32, #tpu.memory_space<vmem>>, vector<65x2048xf32>
        %get3A_27 = arith.constant 0 : index
        %get3A_28 = arith.constant 768 : index
        %get3A_29 = vector.load %arg5[%get3A_27, %get3A_28] : memref<65x1024xf32, #tpu.memory_space<vmem>>, vector<65x256xf32>
        %dot_general3A = arith.constant dense<0.000000e+00> : vector<2048x256xf32>
        %dot_general3A_30 = tpu.matmul %get3A_26, %get3A_29, %dot_general3A {dimension_numbers = #tpu.dot_dimension_numbers<[0], [0], [1], [1], [0, 1, 1, 1], [], []>, transpose_lhs_hint = false} : vector<65x2048xf32>, vector<65x256xf32>, vector<2048x256xf32> -> vector<2048x256xf32>
        %exp3A = math.exp %dot_general3A_30 : vector<2048x256xf32>
        %get3A_31 = arith.constant 0 : index
        %get3A_32 = arith.constant 768 : index
        %get3A_33 = vector.load %arg6[%get3A_31, %get3A_32] : memref<1x1024xf32, #tpu.memory_space<vmem>>, vector<1x256xf32>
        %div3A = arith.constant 1.000000e+00 : f32
        %div3A_34 = vector.broadcast %div3A : f32 to vector<1x256xf32>
        %div3A_35 = arith.divf %div3A_34, %get3A_33 : vector<1x256xf32>
        %mul3A = vector.broadcast %div3A_35 : vector<1x256xf32> to vector<2048x256xf32>
        %mul3A_36 = arith.mulf %exp3A, %mul3A : vector<2048x256xf32>
        %swap3A = arith.constant 0 : index
        %swap3A_37 = arith.constant 0 : index
        %swap3A_38 = vector.load %arg4[%swap3A, %swap3A_37] : memref<2048x256xf32, #tpu.memory_space<vmem>>, vector<2048x256xf32>
        tpu.vector_store %arg4[%swap3A, %swap3A_37], %mul3A_36 {strides = array<i32>} : memref<2048x256xf32, #tpu.memory_space<vmem>>, vector<2048x256xf32>,
      } else {
      }
    } else {
    }
    return
  }
  func.func @transform_0(%arg0: i32, %arg1: i32) -> (i32, i32) {
    %min3A = arith.constant 3 : i32
    %min3A_0 = arith.minsi %arg0, %min3A : i32
    %c0_i32 = arith.constant 0 : i32
    %c0_i32_1 = arith.constant 0 : i32
    return %min3A_0, %c0_i32 : i32, i32
  }
  func.func @transform_1(%arg0: i32, %arg1: i32) -> (i32, i32) {
    %c0_i32 = arith.constant 0 : i32
    %c0_i32_0 = arith.constant 0 : i32
    return %c0_i32, %arg1 : i32, i32
  }
  func.func @transform_2(%arg0: i32, %arg1: i32) -> (i32, i32) {
    %gt3A = arith.constant 0 : i32
    %gt3A_0 = arith.cmpi sgt, %arg0, %gt3A : i32
    %jit3A = arith.constant 0 : i32
    %select_n3A = arith.select %gt3A_0, %arg1, %jit3A : i32
    %sub3A = arith.constant 1 : i32
    %sub3A_1 = arith.subi %arg0, %sub3A : i32
    %max3A = arith.constant 0 : i32
    %max3A_2 = arith.maxsi %sub3A_1, %max3A : i32
    %c0_i32 = arith.constant 0 : i32
    return %select_n3A, %max3A_2 : i32, i32
  }
}

</mosaic_0001>

<sc_bundles>
// kernel: kernel.4.cloned.1.call-start
scs
__scs_entry_jumppad:
0x0: {  	(pc) =	sbr.rel $0x88, $3  }
0x1: {  	(tag) =	ssettag $0x0;
	lr =	simm.s32 $0x1  }
0x2: {  	[smem:$0x3F9D] =	sst lr;
	_ =	strace $0xD0000000  }
0x3: {  	_ = 	snop  }
0x4: {  	_ = 	snop  }
0x5: {  	_ = 	snop  }
0x6: {  	_ = 	snop  }
0x7: {  	_ = 	snop  }
__scs_overlays_trampoline_lowered:
0x8: {  	[smem:$0x3FAC] =	sst s0  }
0x9: {  	[smem:$0x3FAD] =	sst s1  }
0xa: {  	[smem:$0x3FAE] =	sst s2  }
0xb: {  	[smem:$0x3FAF] =	sst s3  }
0xc: {  	[smem:$0x3FB0] =	sst s4  }
0xd: {  	[smem:$0x3FB1] =	sst s5  }
0xe: {  	[smem:$0x3FB2] =	sst s6  }
0xf: {  	[smem:$0x3FB3] =	sst s7  }
0x10: {  	[smem:$0x3FB4] =	sst s8  }
0x11: {  	[smem:$0x3FB5] =	sst s9;
	s0 =	simm.s32 @!p0 $0x0  }
0x12: {  	s1 =	sld [smem:$0x3F9B];
	s0 =	simm.s32 @p0 $0x1  }
0x13: {  	[smem:$0x3FB6] =	sst s0;
	s0 =	simm.s32 @!p1 $0x0  }
0x14: {  	s2 =	sld [smem:$0x3F9A];
	s0 =	simm.s32 @p1 $0x1  }
0x15: {  	[smem:$0x3FB7] =	sst s0;
	s0 =	simm.s32 @!p2 $0x0  }
0x16: {  	s3 =	sld [smem:$0x3FDB];
	s0 =	simm.s32 @p2 $0x1  }
0x17: {  	s4 =	simm.s32 $0x1BF5;
	[smem:$0x3FB9] =	sst s0  }
0x18: {  	s0 =	sld [smem:$0x3F9C];
	_ =	swait.ge [sflag:s4], $0x0  }
0x19: {  	s7 =	sld [smem:$0x3F9D]  }
0x1a: {  	s8 =	sadd.s32 $0xFFFFE003, lr  }
0x1b: {  	s9 =	sadd.s32 $0xFFFFFEF7, lr;
	s5 =	simm.s32 $0xFFFFFFFF;
	p2 =	slt.u32 s8, $0xFFFFF086  }
0x1c: {  	p1 =	slt.u32 s9, $0xF7A;
	s5 =	simm.s32 @!p2 $0x0  }
0x1d: {  	s5 =	simm.s32 @p1 $0x1;
	p0 =	seq.s32 s7, s2  }
0x1e: {  	s7 =	smul.u32 @!p0 $0xF7A, s2;
	p2 =	seq.s32 @!p0 s5, $0x0  }
0x1f: {  	s9 =	smul.u32 $0xF7A, s1;
	s8 =	simm.s32 @!p0 $0x1BF5;
	p2 =	por !p2, p0  }
0x20: {  	[sflag:s8] =	ssyncset.s32 @!p0 $0xFFFFF086;
	s6 =	sadd.s32 @!p0 s3, s7;
	s7 =	simm.s32 @!p0 $0x108  }
0x21: {  	s3 =	sadd.s32 s3, s9;
	s6 =	sadd.s32 @!p0 $0x88, s6;
	s7 =	simm.s32 @p2 $0x1082  }
0x22: {  	[simem:s7], [sflag:s8] =	dma.local @!p0 [hbm:s6], $0xF7A  }
0x23: {  	s9 =	sor.u32 $0xD0000000, s2;
	s6 =	simm.s32 $0x108;
	_ =	swait.ge @!p0 [sflag:s8], $0x0  }
0x24: {  	s3 =	sadd.s32 $0x88, s3;
	s6 =	simm.s32 @!p1 $0x1082;
	[sflag:s4] =	ssyncset.s32 $0xFFFFF086  }
0x25: {  	[simem:s6], [sflag:s4] =	dma.local [hbm:s3], $0xF7A  }
0x26: {  	[smem:$0x3F9D] =	sst s1;
	(tag) =	ssettag s2;
	_ =	strace s9  }
0x27: {  	s1 =	sld [smem:$0x3FAD]  }
0x28: {  	s2 =	sld [smem:$0x3FAE]  }
0x29: {  	s4 =	sld [smem:$0x3FB0]  }
0x2a: {  	p0 =	seq.s32 s5, $0x0;
	s5 =	sld [smem:$0x3FB1]  }
0x2b: {  	s6 =	sld [smem:$0x3FB2]  }
0x2c: {  	s7 =	sld [smem:$0x3FB3]  }
0x2d: {  	s3 =	simm.s32 $0x108;
	s8 =	sld [smem:$0x3FB4]  }
0x2e: {  	s3 =	simm.s32 @!p0 $0x1082;
	s9 =	sld [smem:$0x3FB5]  }
0x2f: {  	lr =	sadd.s32 s0, s3;
	s0 =	sld [smem:$0x3FAC]  }
0x30: {  	s3 =	sld [smem:$0x3FAF]  }
0x31: {  	[smem:$0x3FB8] =	sst s10  }
0x32: {  	s10 =	sld [smem:$0x3FB6];
	_ =	sdelay $0x3  }
0x33: {  	p0 =	seq.s32 s10, $0x1;
	s10 =	sld [smem:$0x3FB8];
	_ =	sdelay $0x3  }
0x34: {  	[smem:$0x3FB8] =	sst s10  }
0x35: {  	s10 =	sld [smem:$0x3FB7];
	_ =	sdelay $0x3  }
0x36: {  	p1 =	seq.s32 s10, $0x1;
	s10 =	sld [smem:$0x3FB8];
	_ =	sdelay $0x3  }
0x37: {  	[smem:$0x3FB8] =	sst s10  }
0x38: {  	s10 =	sld [smem:$0x3FB9]  }
0x39: {  	_ = 	snop;
	(pc) =	sbr.ind lr, $3  }
0x3a: {  	_ = 	snop  }
0x3b: {  	_ = 	snop  }
0x3c: {  	p2 =	seq.s32 s10, $0x1;
	s10 =	sld [smem:$0x3FB8]  }
0x3d: {  	_ =	shalt  }
0x3e: {  	_ =	shalt  }
0x3f: {  	_ =	shalt  }
0x40: {  	_ =	shalt  }
0x41: {  	_ =	shalt  }
0x42: {  	_ =	shalt  }
0x43: {  	_ =	shalt  }
0x44: {  	_ =	shalt  }
0x45: {  	_ =	shalt  }
0x46: {  	_ =	shalt  }
0x47: {  	_ =	shalt  }
0x48: {  	_ =	shalt  }
0x49: {  	_ =	shalt  }
0x4a: {  	_ =	shalt  }
0x4b: {  	_ =	shalt  }
0x4c: {  	_ =	shalt  }
0x4d: {  	_ =	shalt  }
0x4e: {  	_ =	shalt  }
0x4f: {  	_ =	shalt  }
0x50: {  	_ =	shalt  }
0x51: {  	_ =	shalt  }
0x52: {  	_ =	shalt  }
0x53: {  	_ =	shalt  }
0x54: {  	_ =	shalt  }
0x55: {  	_ =	shalt  }
0x56: {  	_ =	shalt  }
0x57: {  	_ =	shalt  }
0x58: {  	_ =	shalt  }
0x59: {  	_ =	shalt  }
0x5a: {  	_ =	shalt  }
0x5b: {  	_ =	shalt  }
0x5c: {  	_ =	shalt  }
0x5d: {  	_ =	shalt  }
0x5e: {  	_ =	shalt  }
0x5f: {  	_ =	shalt  }
0x60: {  	_ =	shalt  }
0x61: {  	_ =	shalt  }
0x62: {  	_ =	shalt  }
0x63: {  	_ =	shalt  }
0x64: {  	_ =	shalt  }
0x65: {  	_ =	shalt  }
0x66: {  	_ =	shalt  }
0x67: {  	_ =	shalt  }
0x68: {  	_ =	shalt  }
0x69: {  	_ =	shalt  }
0x6a: {  	_ =	shalt  }
0x6b: {  	_ =	shalt  }
0x6c: {  	_ =	shalt  }
0x6d: {  	_ =	shalt  }
0x6e: {  	_ =	shalt  }
0x6f: {  	_ =	shalt  }
0x70: {  	_ =	shalt  }
0x71: {  	_ =	shalt  }
0x72: {  	_ =	shalt  }
0x73: {  	_ =	shalt  }
0x74: {  	_ =	shalt  }
0x75: {  	_ =	shalt  }
0x76: {  	_ =	shalt  }
0x77: {  	_ =	shalt  }
0x78: {  	_ =	shalt  }
0x79: {  	_ =	shalt  }
0x7a: {  	_ =	shalt  }
0x7b: {  	_ =	shalt  }
0x7c: {  	_ =	shalt  }
0x7d: {  	_ =	shalt  }
0x7e: {  	_ =	shalt  }
0x7f: {  	_ =	shalt  }
0x80: {  	_ =	shalt  }
0x81: {  	_ =	shalt  }
0x82: {  	_ =	shalt  }
0x83: {  	_ =	shalt  }
0x84: {  	_ =	shalt  }
0x85: {  	_ =	shalt  }
0x86: {  	_ =	shalt  }
0x87: {  	_ =	shalt  }
.Lfunc_end0:
.L_simem_size_0:
called_computation_lowered:
.L_overlay_start_0:
0x88: {  	s2 =	sld [smem:$0x3FD9]  }
0x89: {  	s3 =	sld [smem:$0x3FFE];
	_ =	sdelay $0x1  }
0x8a: {  	s1 =	srdreg.scid  }
0x8b: {  	s0 =	sand.u32 $0x1, s1  }
0x8c: {  	s17 =	sshll.u32 s0, $0xA;
	s2 =	sadd.s32 s3, s2  }
0x8d: {  	s2 =	sadd.s32 s2, s17  }
0x8e: {  	[smem:$0x3FC4] =	sst s2  }
0x8f: {  	_ = 	snop  }
0x90: {  	s2 =	sld [smem:$0x3FD0];
	(tm) =	ssettm $0x1  }
0x91: {  	s18 =	sld [smem:$0x3FFB];
	_ =	sdelay $0x3  }
0x92: {  	_ =	strace s18  }
0x93: {  	s3 =	sld [smem:$0x3FFC];
	_ =	sdelay $0x3  }
0x94: {  	_ =	strace s3  }
0x95: {  	s3 =	sld [smem:$0x3FFD];
	_ =	sdelay $0x3  }
0x96: {  	_ =	strace s3  }
0x97: {  	_ =	strace $0x8FFFFFFF  }
0x98: {  	s19 =	sld [smem:$0x3FDB];
	_ =	sdelay $0x1  }
0x99: {  	s4 =	simm.s32 $_scs_section_size  }
0x9a: {  	s5 =	simm.s32 $_size__tile_overlayer_lowered;
	s6 =	simm.s32 $_tile_overlayer_lowered  }
0x9b: {  	s22 =	simm.s32 $0x1BFF;
	s21 =	sshll.u32 s6, $0x1;
	s3 =	sadd.s32 s4, s19  }
0x9c: {  	s7 =	simm.s32 $0x0;
	s20 =	sshll.u32 s5, $0x1;
	s5 =	sadd.s32 s21, s3  }
0x9d: {  	[timem:s7], [sflag:s22] =	dma.local [hbm:s5], s20  }
0x9e: {  	_ =	swait.ge [sflag:s22], s20  }
0x9f: {  	s4 =	ssub.s32 $0x0, s20;
	[sflag:s22] =	ssyncset.done $0x0  }
0xa0: {  	[sflag:s22] =	ssyncadd.s32 s4;
	_ =	sdelay $0x1  }
0xa1: {  	s23 =	simm.s32 $0x1B8B  }
0xa2: {  	_ =	swait.ge [sflag:s23], $0x1  }
0xa3: {  	[sflag:s23] =	ssyncset.done $0x0  }
0xa4: {  	s25 =	simm.s32 $0x1B8E;
	s24 =	sld [smem:$0x3FFE];
	[sflag:s23] =	ssyncadd.s32 $0xFFFFFFFF  }
0xa5: {  	s26 =	simm.s32 $execute0_lowered;
	[smem:$0x3FD2] =	sst s25  }
0xa6: {  	s5 =	sshll.u32 s26, $0x1;
	_ =	strace $0x80000046;
	[dreg:$0x1] =	wrdreg $0xFFFFFFFF  }
0xa7: {  	s28 =	simm.s32 $_size_execute0_lowered;
	s3 =	sadd.s32 s3, s5;
	[dreg:$0x0] =	wrdreg $0x0  }
0xa8: {  	s5 =	sshll.u32 s28, $0x1;
	[dreg:$0x2] =	wrdreg s3  }
0xa9: {  	[dreg:$0x3] =	wrdreg s5  }
0xaa: {  	[dreg:$0x4] =	wrdreg $0xC0  }
0xab: {  	_ =	task [dreg:s7], $0x5FFFF  }
0xac: {  	[dreg:$0x1] =	wrdreg $0xFFFFFFFF  }
0xad: {  	[dreg:$0x0] =	wrdreg $0x60  }
0xae: {  	[dreg:$0x2] =	wrdreg s24  }
0xaf: {  	[dreg:$0x3] =	wrdreg s2  }
0xb0: {  	[dreg:$0x4] =	wrdreg $0x9  }
0xb1: {  	_ =	task.clear_ibuf [dreg:s7], $0x5FFFF;
	_ =	strace $0x90000046  }
0xb2: {  	s29 =	simm.s32 $0x9;
	_ =	strace $0x80000048  }
0xb3: {  	_ =	swait.ge [sflag:s29], $0x1  }
0xb4: {  	[sflag:s29] =	ssyncadd.s32 $0xFFFFFFFF  }
0xb5: {  	_ =	strace $0x90000048  }
0xb6: {  	_ =	sfence  }
0xb7: {  	s30 =	sld [smem:$0x0];
	_ =	sdelay $0x2  }
0xb8: {  	s31 =	sshll.u32 s1, $0xD;
	s1 =	sshrl.u32 s1, $0x2  }
0xb9: {  	s3 =	sand.u32 $0x4000, s31;
	s1 =	sadd.s32 s1, s30  }
0xba: {  	s0 =	sor.u32 s3, s0;
	s1 =	sshll.u32 s1, $0x11  }
0xbb: {  	s0 =	sor.u32 s1, s0  }
0xbc: {  	s0 =	sadd.s32 $0x8F2B, s0  }
0xbd: {  	[sflag:s0] =	ssyncadd.remote.s32 $0x1  }
0xbe: {  	_ =	sfence.sel $0xFFFF  }
0xbf: {  	[dreg:$0x0] =	wrdreg $0xFFFFFFFF;
	(pc) =	sbr.abs _section_cstart, $3  }
0xc0: {  	[dreg:$0x1] =	wrdreg $0xFFFFFFFF  }
0xc1: {  	_ =	task.clear_ibuf [dreg:s7], $0x2FFFF;
	_ =	strace $0x9FFFFFFF  }
0xc2: {  	(tm) =	ssettm $0x7FFFFFFF  }
0xc3: {  	_ =	shalt  }
tec
execute0_lowered:
.L_overlay_start_1:
0x0: {  	(tag) =	ssettag $0x1  }
0x1: {  	s1 =	srdreg.scid;
	s3 =	rddreg [dreg:$0x0]  }
0x2: {  	s0 =	stileid.u32;
	s5 =	rddreg [dreg:$0x1];
	s2 =	simm.s32 $0x0  }
0x3: {  	s9 =	simm.s32 $0x1;
	s10 =	simm.s32 $0x5140;
	s11 =	simm.s32 $0x0  }
0x4: {  	s4 =	sand.u32 $0x1, s1;
	s31 =	sshll.u32 s0, $0x1;
	s1 =	rddreg [dreg:$0x2]  }
0x5: {  	[smem:$0x7FF] =	sst s2;
	s6 =	sor.u32 s4, s31;
	s4 =	ssub.s32 $0x2, s4  }
0x6: {  	s7 =	smul.u32 $0x28, s6;
	s8 =	sshrl.u32 s4, $0x1;
	s6 =	sshll.u32 s6, $0x8  }
0x7: {  	_ =	strace $0x80000047;
	s8 =	ssub.s32 s4, s8;
	s5 =	sadd.s32 s5, s6  }
0x8: {  	s7 =	sadd.s32 s7, s3;
	s3 =	sadd.s32 $0x2800, s3;
	s6 =	smax.u32 s8, $0x1  }
0x9: {  	s8 =	simm.s32 $0x140;
	s4 =	sadd.s32 $0x2200, s7;
	s7 =	simm.s32 $0x2  }
.LBB2_1:
0xa: {  	[tilespmem:s2], [sflag:$0x2] =	stream.linear.gather [hbm4b:s4+s2], $0x140, $0x38;
	[tilespmem:$0x5940] =	vst v63  }
0xb: {  	_ =	swait.ge [sflag:s7], $0x140  }
0xc: {  	[sflag:s7] =	ssyncset.done $0x0  }
0xd: {  	[sflag:s7] =	ssyncadd.s32 $0xFFFFFEC0  }
0xe: {  	[tilespmem:s8], [sflag:$0x1] =	stream.indirect.gather [hbm4b:s3+s8], $0x40, s2, s8, $0xb8;
	[tilespmem:$0x5940] =	vst v63  }
0xf: {  	_ =	swait.ge [sflag:s9], $0x5000  }
0x10: {  	[sflag:s9] =	ssyncset.done $0x0  }
0x11: {  	s12 =	simm.s32 $0x280;
	[sflag:s9] =	ssyncadd.s32 $0xFFFFB000  }
0x12: {  	v0 =	vld [tilespmem:s12+$0xFFFFFF00]  }
0x13: {  	v1 =	vld [tilespmem:s12+$0xFFFFFEC0];
	_ =	sdelay $0x1  }
0x14: {  	v2 =	vld [tilespmem:s12+$0xFFFFFF40];
	_ =	sdelay $0x1  }
0x15: {  	v3 =	vld [tilespmem:s12+$0xFFFFFF80]  }
0x16: {  	v0 =	vadd.f32 v0, v1  }
0x17: {  	v1 =	vld [tilespmem:s12+$0xFFFFFFC0]  }
0x18: {  	v0 =	vadd.f32 v2, v0  }
0x19: {  	v2 =	vld [tilespmem:s12+$0x0]  }
0x1a: {  	v0 =	vadd.f32 v3, v0  }
0x1b: {  	v3 =	vld [tilespmem:s12+$0x40]  }
0x1c: {  	v0 =	vadd.f32 v1, v0  }
0x1d: {  	v1 =	vld [tilespmem:s12+$0x80]  }
0x1e: {  	v0 =	vadd.f32 v2, v0  }
0x1f: {  	v2 =	vld [tilespmem:s12+$0xC0]  }
0x20: {  	v0 =	vadd.f32 v3, v0  }
0x21: {  	v3 =	vld [tilespmem:s12+$0x100]  }
0x22: {  	v0 =	vadd.f32 v1, v0;
	_ =	sdelay $0x1  }
0x23: {  	v0 =	vadd.f32 v2, v0;
	_ =	sdelay $0x1  }
0x24: {  	v0 =	vadd.f32 v3, v0;
	_ =	sdelay $0x1  }
0x25: {  	v0 =	vmul.f32 $1.000000010e-01, v0  }
0x26: {  	s13 =	simm.s32 $0x0  }
0x27: {  	[tilespmem:s13+$0x5140] =	vst v0  }
0x28: {  	v0 =	vld [tilespmem:s12+$0xFFFFFED0]  }
0x29: {  	v1 =	vld [tilespmem:s12+$0xFFFFFF10];
	_ =	sdelay $0x1  }
0x2a: {  	v2 =	vld [tilespmem:s12+$0xFFFFFF50];
	_ =	sdelay $0x1  }
0x2b: {  	v3 =	vld [tilespmem:s12+$0xFFFFFF90]  }
0x2c: {  	v0 =	vadd.f32 v1, v0  }
0x2d: {  	v1 =	vld [tilespmem:s12+$0xFFFFFFD0]  }
0x2e: {  	v0 =	vadd.f32 v2, v0  }
0x2f: {  	v2 =	vld [tilespmem:s12+$0x10]  }
0x30: {  	v0 =	vadd.f32 v3, v0  }
0x31: {  	v3 =	vld [tilespmem:s12+$0x50]  }
0x32: {  	v0 =	vadd.f32 v1, v0  }
0x33: {  	v1 =	vld [tilespmem:s12+$0x90]  }
0x34: {  	v0 =	vadd.f32 v2, v0  }
0x35: {  	v2 =	vld [tilespmem:s12+$0xD0]  }
0x36: {  	v0 =	vadd.f32 v3, v0  }
0x37: {  	v3 =	vld [tilespmem:s12+$0x110]  }
0x38: {  	v0 =	vadd.f32 v1, v0;
	_ =	sdelay $0x1  }
0x39: {  	v0 =	vadd.f32 v2, v0;
	_ =	sdelay $0x1  }
0x3a: {  	v0 =	vadd.f32 v3, v0;
	_ =	sdelay $0x1  }
0x3b: {  	v0 =	vmul.f32 $1.000000010e-01, v0;
	_ =	sdelay $0x1  }
0x3c: {  	[tilespmem:s13+$0x5150] =	vst v0  }
0x3d: {  	v0 =	vld [tilespmem:s12+$0xFFFFFEE0]  }
0x3e: {  	v1 =	vld [tilespmem:s12+$0xFFFFFF20];
	_ =	sdelay $0x1  }
0x3f: {  	v2 =	vld [tilespmem:s12+$0xFFFFFF60];
	_ =	sdelay $0x1  }
0x40: {  	v3 =	vld [tilespmem:s12+$0xFFFFFFA0]  }
0x41: {  	v0 =	vadd.f32 v1, v0  }
0x42: {  	v1 =	vld [tilespmem:s12+$0xFFFFFFE0]  }
0x43: {  	v0 =	vadd.f32 v2, v0  }
0x44: {  	v2 =	vld [tilespmem:s12+$0x20]  }
0x45: {  	v0 =	vadd.f32 v3, v0  }
0x46: {  	v3 =	vld [tilespmem:s12+$0x60]  }
0x47: {  	v0 =	vadd.f32 v1, v0  }
0x48: {  	v1 =	vld [tilespmem:s12+$0xA0]  }
0x49: {  	v0 =	vadd.f32 v2, v0  }
0x4a: {  	v2 =	vld [tilespmem:s12+$0xE0]  }
0x4b: {  	v0 =	vadd.f32 v3, v0  }
0x4c: {  	v3 =	vld [tilespmem:s12+$0x120]  }
0x4d: {  	v0 =	vadd.f32 v1, v0;
	_ =	sdelay $0x1  }
0x4e: {  	v0 =	vadd.f32 v2, v0;
	_ =	sdelay $0x1  }
0x4f: {  	v0 =	vadd.f32 v3, v0;
	_ =	sdelay $0x1  }
0x50: {  	v0 =	vmul.f32 $1.000000010e-01, v0;
	_ =	sdelay $0x1  }
0x51: {  	[tilespmem:s13+$0x5160] =	vst v0  }
0x52: {  	v0 =	vld [tilespmem:s12+$0xFFFFFEF0]  }
0x53: {  	v1 =	vld [tilespmem:s12+$0xFFFFFF30];
	_ =	sdelay $0x1  }
0x54: {  	v2 =	vld [tilespmem:s12+$0xFFFFFF70];
	_ =	sdelay $0x1  }
0x55: {  	v3 =	vld [tilespmem:s12+$0xFFFFFFB0]  }
0x56: {  	v0 =	vadd.f32 v1, v0  }
0x57: {  	v1 =	vld [tilespmem:s12+$0xFFFFFFF0]  }
0x58: {  	v0 =	vadd.f32 v2, v0  }
0x59: {  	v2 =	vld [tilespmem:s12+$0x30]  }
0x5a: {  	v0 =	vadd.f32 v3, v0  }
0x5b: {  	v3 =	vld [tilespmem:s12+$0x70]  }
0x5c: {  	v0 =	vadd.f32 v1, v0  }
0x5d: {  	v1 =	vld [tilespmem:s12+$0xB0]  }
0x5e: {  	v0 =	vadd.f32 v2, v0;
	_ =	sdelay $0x1  }
0x5f: {  	v2 =	vld [tilespmem:s12+$0xF0];
	v0 =	vadd.f32 v3, v0;
	_ =	sdelay $0x1  }
0x60: {  	v1 =	vadd.f32 v1, v0;
	v0 =	vld [tilespmem:s12+$0x130];
	_ =	sdelay $0x2  }
0x61: {  	s14 =	simm.s32 $0x100;
	v1 =	vadd.f32 v2, v1  }
.LBB2_2:
0x62: {  	p0 =	sne.s32 s14, $0x1F00  }
0x63: {  	s12 =	sadd.s32 $0x280, s12;
	s15 =	smov.u32 s14;
	s14 =	sadd.s32 $0x100, s14;
	v0 =	vadd.f32 v0, v1  }
0x64: {  	_ = 	snop  }
0x65: {  	v0 =	vmul.f32 $1.000000010e-01, v0;
	_ =	sdelay $0x1  }
0x66: {  	[tilespmem:s13+$0x5170] =	vst v0  }
0x67: {  	v0 =	vld [tilespmem:s12+$0xFFFFFF00]  }
0x68: {  	v1 =	vld [tilespmem:s12+$0xFFFFFEC0];
	_ =	sdelay $0x1  }
0x69: {  	v2 =	vld [tilespmem:s12+$0xFFFFFF40];
	_ =	sdelay $0x1  }
0x6a: {  	v3 =	vld [tilespmem:s12+$0xFFFFFF80]  }
0x6b: {  	v0 =	vadd.f32 v0, v1  }
0x6c: {  	v1 =	vld [tilespmem:s12+$0xFFFFFFC0]  }
0x6d: {  	v0 =	vadd.f32 v2, v0  }
0x6e: {  	v2 =	vld [tilespmem:s12+$0x0]  }
0x6f: {  	v0 =	vadd.f32 v3, v0  }
0x70: {  	v3 =	vld [tilespmem:s12+$0x40]  }
0x71: {  	v0 =	vadd.f32 v1, v0  }
0x72: {  	v1 =	vld [tilespmem:s12+$0x80]  }
0x73: {  	v0 =	vadd.f32 v2, v0  }
0x74: {  	v2 =	vld [tilespmem:s12+$0xC0]  }
0x75: {  	v0 =	vadd.f32 v3, v0  }
0x76: {  	v3 =	vld [tilespmem:s12+$0x100]  }
0x77: {  	v0 =	vadd.f32 v1, v0;
	_ =	sdelay $0x1  }
0x78: {  	v0 =	vadd.f32 v2, v0;
	_ =	sdelay $0x1  }
0x79: {  	v0 =	vadd.f32 v3, v0;
	_ =	sdelay $0x1  }
0x7a: {  	v0 =	vmul.f32 $1.000000010e-01, v0  }
0x7b: {  	s13 =	sshra.s32 s15, $0x2  }
0x7c: {  	[tilespmem:s13+$0x5140] =	vst v0  }
0x7d: {  	v0 =	vld [tilespmem:s12+$0xFFFFFED0]  }
0x7e: {  	v1 =	vld [tilespmem:s12+$0xFFFFFF10];
	_ =	sdelay $0x1  }
0x7f: {  	v2 =	vld [tilespmem:s12+$0xFFFFFF50];
	_ =	sdelay $0x1  }
0x80: {  	v3 =	vld [tilespmem:s12+$0xFFFFFF90]  }
0x81: {  	v0 =	vadd.f32 v1, v0  }
0x82: {  	v1 =	vld [tilespmem:s12+$0xFFFFFFD0]  }
0x83: {  	v0 =	vadd.f32 v2, v0  }
0x84: {  	v2 =	vld [tilespmem:s12+$0x10]  }
0x85: {  	v0 =	vadd.f32 v3, v0  }
0x86: {  	v3 =	vld [tilespmem:s12+$0x50]  }
0x87: {  	v0 =	vadd.f32 v1, v0  }
0x88: {  	v1 =	vld [tilespmem:s12+$0x90]  }
0x89: {  	v0 =	vadd.f32 v2, v0  }
0x8a: {  	v2 =	vld [tilespmem:s12+$0xD0]  }
0x8b: {  	v0 =	vadd.f32 v3, v0  }
0x8c: {  	v3 =	vld [tilespmem:s12+$0x110]  }
0x8d: {  	v0 =	vadd.f32 v1, v0;
	_ =	sdelay $0x1  }
0x8e: {  	v0 =	vadd.f32 v2, v0;
	_ =	sdelay $0x1  }
0x8f: {  	v0 =	vadd.f32 v3, v0;
	_ =	sdelay $0x1  }
0x90: {  	v0 =	vmul.f32 $1.000000010e-01, v0;
	_ =	sdelay $0x1  }
0x91: {  	[tilespmem:s13+$0x5150] =	vst v0  }
0x92: {  	v0 =	vld [tilespmem:s12+$0xFFFFFEE0]  }
0x93: {  	v1 =	vld [tilespmem:s12+$0xFFFFFF20];
	_ =	sdelay $0x1  }
0x94: {  	v2 =	vld [tilespmem:s12+$0xFFFFFF60];
	_ =	sdelay $0x1  }
0x95: {  	v3 =	vld [tilespmem:s12+$0xFFFFFFA0]  }
0x96: {  	v0 =	vadd.f32 v1, v0  }
0x97: {  	v1 =	vld [tilespmem:s12+$0xFFFFFFE0]  }
0x98: {  	v0 =	vadd.f32 v2, v0  }
0x99: {  	v2 =	vld [tilespmem:s12+$0x20]  }
0x9a: {  	v0 =	vadd.f32 v3, v0  }
0x9b: {  	v3 =	vld [tilespmem:s12+$0x60]  }
0x9c: {  	v0 =	vadd.f32 v1, v0  }
0x9d: {  	v1 =	vld [tilespmem:s12+$0xA0]  }
0x9e: {  	v0 =	vadd.f32 v2, v0  }
0x9f: {  	v2 =	vld [tilespmem:s12+$0xE0]  }
0xa0: {  	v0 =	vadd.f32 v3, v0  }
0xa1: {  	v3 =	vld [tilespmem:s12+$0x120]  }
0xa2: {  	v0 =	vadd.f32 v1, v0;
	_ =	sdelay $0x1  }
0xa3: {  	v0 =	vadd.f32 v2, v0;
	_ =	sdelay $0x1  }
0xa4: {  	v0 =	vadd.f32 v3, v0;
	_ =	sdelay $0x1  }
0xa5: {  	v0 =	vmul.f32 $1.000000010e-01, v0;
	_ =	sdelay $0x1  }
0xa6: {  	[tilespmem:s13+$0x5160] =	vst v0  }
0xa7: {  	v0 =	vld [tilespmem:s12+$0xFFFFFEF0]  }
0xa8: {  	v1 =	vld [tilespmem:s12+$0xFFFFFF30]  }
0xa9: {  	v2 =	vld [tilespmem:s12+$0xFFFFFF70]  }
0xaa: {  	v3 =	vld [tilespmem:s12+$0xFFFFFFB0]  }
0xab: {  	v4 =	vld [tilespmem:s12+$0xFFFFFFF0]  }
0xac: {  	v5 =	vld [tilespmem:s12+$0x30]  }
0xad: {  	v0 =	vadd.f32 v1, v0;
	v1 =	vld [tilespmem:s12+$0x70]  }
0xae: {  	v6 =	vld [tilespmem:s12+$0xB0]  }
0xaf: {  	v2 =	vadd.f32 v2, v0;
	v7 =	vld [tilespmem:s12+$0xF0]  }
0xb0: {  	v0 =	vld [tilespmem:s12+$0x130]  }
0xb1: {  	v2 =	vadd.f32 v3, v2;
	_ =	sdelay $0x1  }
0xb2: {  	v2 =	vadd.f32 v4, v2;
	_ =	sdelay $0x1  }
0xb3: {  	v2 =	vadd.f32 v5, v2;
	_ =	sdelay $0x1  }
.Ltmp0:
0xb4: {  	v1 =	vadd.f32 v1, v2;
	(pc) =	sbr.rel @p0 .LBB2_2-.Ltmp0, $3  }
0xb5: {  	_ = 	snop  }
0xb6: {  	v1 =	vadd.f32 v6, v1;
	_ =	sdelay $0x1  }
0xb7: {  	v1 =	vadd.f32 v7, v1  }
0xb8: {  	_ = 	snop  }
0xb9: {  	v0 =	vadd.f32 v0, v1;
	_ =	sdelay $0x1  }
0xba: {  	s11 =	sadd.s32 $0x1, s11;
	v0 =	vmul.f32 $1.000000010e-01, v0  }
0xbb: {  	p0 =	sne.s32 s11, s6  }
.Ltmp1:
0xbc: {  	[tilespmem:s13+$0x5170] =	vst v0;
	(pc) =	sbr.rel @p0 .LBB2_1-.Ltmp1, $4  }
0xbd: {  	[hbm4b:s5+s2] =	stream.linear.scatter [tilespmem:s10], [sflag:$0x2], $0x800, $0x38;
	[tilespmem:$0x5940] =	vst v63  }
0xbe: {  	_ =	swait.ge [sflag:s7], $0x800  }
0xbf: {  	[sflag:s7] =	ssyncset.done $0x0  }
0xc0: {  	[sflag:s7] =	ssyncadd.s32 $0xFFFFF800  }
0xc1: {  	_ =	sfence.sel $0x180000  }
0xc2: {  	[bflag:$0x0] =	sbarrier.arrive $0xFFFF  }
0xc3: {  	p0 =	sne.s32 s0, $0x0;
	_ =	strace $0x90000047  }
0xc4: {  	s0 =	sadd.s32 @!p0 $0x100000, s1;
	[bflag:$0x2] =	sbarrier.arrive $0xFFFF  }
0xc5: {  	[sflag:s0] =	ssyncadd.tile.s32 @!p0 $0x1;
	_ =	shalt  }
.Lfunc_end2:
_tile_overlayer_lowered:
.L_overlay_start_2:
0xc6: {  	(tag) =	ssettag $0x2  }
0xc7: {  	s0 =	rddreg [dreg:$0x0];
	s2 =	stileid.u32  }
0xc8: {  	s1 =	rddreg [dreg:$0x1];
	p0 =	sne.s32 s2, $0x0  }
0xc9: {  	s3 =	rddreg [dreg:$0x2];
	[bflag:$0x3] =	sbarrier.arrive $0xFFFF;
	s2 =	simm.s32 @!p0 $0x1C02  }
0xca: {  	[timem:s3], [sflag:s2] =	dma.local @!p0 [hbm:s0], s1  }
0xcb: {  	s0 =	simm.s32 @!p0 $0x2  }
0xcc: {  	_ =	swait.ge @!p0 [sflag:s0], s1  }
0xcd: {  	s1 =	ssub.s32 @!p0 $0x0, s1;
	[sflag:s0] =	ssyncset.done @!p0 $0x0  }
0xce: {  	[sflag:s0] =	ssyncadd.s32 @!p0 s1  }
0xcf: {  	[bflag:$0x3] =	sbarrier.arrive $0xFFFF  }
0xd0: {  	_ =	shalt  }

</sc_bundles>
